<compile_context>
chip_gen: v7x
topology: tpu7x:2x2x1
jax: 0.10.2.dev20260603
libtpu: 0.0.44.dev20260713+nightly
codegen_flags: <defaults>
</compile_context>

<pallas_src>
import functools

import jax
import jax.numpy as jnp
from jax import lax
from jax.experimental import pallas as pl
from jax.experimental.pallas import tpu as pltpu
from jax.experimental.pallas import tpu_sc as plsc

_STATES = 1000000
_ACTIONS = 16
_BATCH = 16384
_DW = 76928
_NCHUNK = 13
_CHUNK_WORDS = _ACTIONS * _DW


def _detile_body(in_ref, out_ref):
    for j in range(_ACTIONS):
        out_ref[pl.ds(j * _DW, _DW)] = in_ref[0, j, :]


@functools.cache
def _build_detile():
    return pl.pallas_call(
        _detile_body,
        grid=(_NCHUNK,),
        in_specs=[pl.BlockSpec((1, _ACTIONS, _DW), lambda c: (0, 0, c))],
        out_specs=pl.BlockSpec((_CHUNK_WORDS,), lambda c: (c,)),
        out_shape=jax.ShapeDtypeStruct((_NCHUNK * _CHUNK_WORDS,), jnp.float32),
    )


@functools.cache
def _build_gather():
    info = plsc.get_sparse_core_info()
    num_cores, num_subcores = info.num_cores, info.num_subcores
    num_workers = num_cores * num_subcores
    b_per_w = _BATCH // num_workers
    n_blk = b_per_w // 16
    n_elems = b_per_w * _ACTIONS
    mesh = plsc.VectorSubcoreMesh(core_axis_name="c", subcore_axis_name="s")

    @functools.partial(
        pl.kernel,
        mesh=mesh,
        out_type=jax.ShapeDtypeStruct((_BATCH * _ACTIONS,), jnp.float32),
        compiler_params=pltpu.CompilerParams(needs_layout_passes=False),
        scratch_types=[
            pltpu.VMEM((b_per_w,), jnp.int32),
            pltpu.VMEM((n_elems,), jnp.int32),
            pltpu.VMEM((n_elems,), jnp.float32),
            pltpu.SemaphoreType.DMA,
        ],
    )
    def gather_kernel(flat_hbm, idx_hbm, out_hbm, idx_v, fidx_v, got_v, sem):
        wid = lax.axis_index("s") * num_cores + lax.axis_index("c")
        base = wid * b_per_w
        pltpu.sync_copy(idx_hbm.at[pl.ds(base, b_per_w)], idx_v)

        def fidx_body(k, _):
            v = idx_v[pl.ds(k * 16, 16)]
            ch = v // _DW
            word = ch * _CHUNK_WORDS + (v - ch * _DW)
            for j in range(_ACTIONS):
                fidx_v[pl.ds(j * b_per_w + k * 16, 16)] = word + j * _DW
            return _

        lax.fori_loop(0, n_blk, fidx_body, None)

        pltpu.async_copy(flat_hbm.at[fidx_v], got_v, sem).wait()

        for j in range(_ACTIONS):
            pltpu.sync_copy(
                got_v.at[pl.ds(j * b_per_w, b_per_w)],
                out_hbm.at[pl.ds(j * _BATCH + base, b_per_w)],
            )

    return gather_kernel


def kernel(state, values):
    idx = state.astype(jnp.int32)
    flat = _build_detile()(values.T.reshape(1, _ACTIONS, _STATES))
    out = _build_gather()(flat, idx)
    return out.reshape(_ACTIONS, _BATCH).T

# --- scband reference (transcript-rebuilt; emitter-appended) ---
"""Pipeline reference for scband-qtable-30030411334372 (READ-ONLY COPY).

The authoritative reference and input builder live on the scoring server;
editing this copy changes nothing except your own understanding.
"""

import jax, jax.numpy as jnp
import numpy as np

STATES = 1000000
ACTIONS = 16
BATCH = 16384

def setup_inputs(seed: int = 0) -> dict:
    key = jax.random.key(seed)
    k1, k2 = jax.random.split(key)
    state = jax.random.randint(k1, (BATCH,), 0, STATES, dtype=jnp.int64)
    # learned parameter table (original inits to zeros; use small random values
    # so the lookup output is non-degenerate for benchmarking)
    values = jax.random.normal(k2, (STATES, ACTIONS), dtype=jnp.float32) * 0.01
    return {"state": state, "values": values}

def reference(state, values):
    # QTable.forward: self.values[state] -> row gather from the table
    return jnp.take(values, state, axis=0)

if __name__ == "__main__":
    import jax
    _d = setup_inputs()
    print(jax.jit(kernel)(*tuple(_d.values())))

</pallas_src>

<mosaic_0001>
#map = affine_map<(d0, d1) -> (0)>
module attributes {stable_mosaic.version = 14 : i64} {
  func.func @gather_kernel(%arg0: i32, %arg1: i32, %arg2: memref<16001024xf32, #tpu.memory_space<hbm>>, %arg3: memref<16384xi32, #tpu.memory_space<hbm>>, %arg4: memref<262144xf32, #tpu.memory_space<hbm>>, %arg5: memref<512xi32, #tpu.memory_space<vmem>>, %arg6: memref<8192xi32, #tpu.memory_space<vmem>>, %arg7: memref<8192xf32, #tpu.memory_space<vmem>>, %arg8: memref<!tpu.dma_semaphore, #tpu.memory_space<semaphore_mem>>) attributes {dimension_semantics = [#tpu.dimension_semantics<core_parallel>, #tpu.dimension_semantics<subcore_parallel>], iteration_bounds = array<i64: 2, 16>, scalar_prefetch = 0 : i64, scratch_operands = 4 : i64, tpu.core_type = #tpu.core_type<sc_vector_subcore>, window_params = [{transform_indices = #map}, {transform_indices = #map}, {transform_indices = #map}]} {
    %mul3A = arith.constant 2 : i32
    %mul3A_0 = arith.muli %arg1, %mul3A : i32
    %add3A = arith.addi %mul3A_0, %arg0 : i32
    %mul3A_1 = arith.constant 512 : i32
    %mul3A_2 = arith.muli %add3A, %mul3A_1 : i32
    "tpu.region"() ({
      %run_scoped3A = tpu.sem_alloc : memref<!tpu.dma_semaphore, #tpu.memory_space<semaphore_mem>>
      %dma_start3A_41 = tpu.memref_slice %arg3[%mul3A_2] : memref<16384xi32, #tpu.memory_space<hbm>> -> memref<512xi32, #tpu.memory_space<hbm>>
      %dma_start3A_42 = tpu.memref_slice %arg3[%mul3A_2] : memref<16384xi32, #tpu.memory_space<hbm>> -> memref<512xi32, #tpu.memory_space<hbm>>
      tpu.enqueue_dma source(%dma_start3A_42 : memref<512xi32, #tpu.memory_space<hbm>>) target(%arg5 : memref<512xi32, #tpu.memory_space<vmem>>) target_semaphore(%run_scoped3A : memref<!tpu.dma_semaphore, #tpu.memory_space<semaphore_mem>>)
      %dma_wait3A_43 = tpu.memref_slice %arg3[%mul3A_2] : memref<16384xi32, #tpu.memory_space<hbm>> -> memref<512xi32, #tpu.memory_space<hbm>>
      %dma_wait3A_44 = tpu.memref_slice %arg3[%mul3A_2] : memref<16384xi32, #tpu.memory_space<hbm>> -> memref<512xi32, #tpu.memory_space<hbm>>
      tpu.wait_dma2 semaphore(%run_scoped3A : memref<!tpu.dma_semaphore, #tpu.memory_space<semaphore_mem>>) src(%dma_wait3A_44 : memref<512xi32, #tpu.memory_space<hbm>>) dst(%arg5 : memref<512xi32, #tpu.memory_space<vmem>>)
      tpu.yield
    }) : () -> ()
    %scan3A = arith.constant 0 : i32
    %scan3A_3 = arith.constant 32 : i32
    %scan3A_4 = arith.addi %scan3A, %scan3A_3 : i32
    %scan3A_5 = arith.constant 1 : i32
    scf.for %scan3A_41 = %scan3A to %scan3A_4 step %scan3A_5  : i32 {
      %mul3A_42 = arith.constant 16 : i32
      %mul3A_43 = arith.muli %scan3A_41, %mul3A_42 : i32
      %get3A = arith.index_cast %mul3A_43 : i32 to index
      %get3A_44 = tpu.vector_load %arg5[%get3A] {strides = array<i32>} : memref<512xi32, #tpu.memory_space<vmem>>, vector<16xi32>,
      %jit3A = arith.constant 76928 : i32
      %div3A = vector.broadcast %jit3A : i32 to vector<16xi32>
      %div3A_45 = arith.divsi %get3A_44, %div3A : vector<16xi32>
      %sign3A = arith.constant 0 : i32
      %sign3A_46 = vector.broadcast %sign3A : i32 to vector<16xi32>
      %sign3A_47 = arith.cmpi sgt, %get3A_44, %sign3A_46 : vector<16xi32>
      %sign3A_48 = arith.extui %sign3A_47 : vector<16xi1> to vector<16xi32>
      %sign3A_49 = arith.constant 0 : i32
      %sign3A_50 = vector.broadcast %sign3A_49 : i32 to vector<16xi32>
      %sign3A_51 = arith.cmpi slt, %get3A_44, %sign3A_50 : vector<16xi32>
      %sign3A_52 = arith.extui %sign3A_51 : vector<16xi1> to vector<16xi32>
      %sign3A_53 = arith.subi %sign3A_48, %sign3A_52 : vector<16xi32>
      %sign3A_54 = arith.constant 0 : i32
      %sign3A_55 = arith.cmpi sgt, %jit3A, %sign3A_54 : i32
      %sign3A_56 = arith.extui %sign3A_55 : i1 to i32
      %sign3A_57 = arith.constant 0 : i32
      %sign3A_58 = arith.cmpi slt, %jit3A, %sign3A_57 : i32
      %sign3A_59 = arith.extui %sign3A_58 : i1 to i32
      %sign3A_60 = arith.subi %sign3A_56, %sign3A_59 : i32
      %ne3A = vector.broadcast %sign3A_60 : i32 to vector<16xi32>
      %ne3A_61 = arith.cmpi ne, %sign3A_53, %ne3A : vector<16xi32>
      %rem3A = vector.broadcast %jit3A : i32 to vector<16xi32>
      %rem3A_62 = arith.remsi %get3A_44, %rem3A : vector<16xi32>
      %ne3A_63 = arith.constant 0 : i32
      %ne3A_64 = vector.broadcast %ne3A_63 : i32 to vector<16xi32>
      %ne3A_65 = arith.cmpi ne, %rem3A_62, %ne3A_64 : vector<16xi32>
      %and3A = arith.andi %ne3A_61, %ne3A_65 : vector<16xi1>
      %sub3A = arith.constant 1 : i32
      %sub3A_66 = vector.broadcast %sub3A : i32 to vector<16xi32>
      %sub3A_67 = arith.subi %div3A_45, %sub3A_66 : vector<16xi32>
      %select_n3A = arith.select %and3A, %sub3A_67, %div3A_45 : vector<16xi1>, vector<16xi32>
      %mul3A_68 = arith.constant 1230848 : i32
      %mul3A_69 = vector.broadcast %mul3A_68 : i32 to vector<16xi32>
      %mul3A_70 = arith.muli %select_n3A, %mul3A_69 : vector<16xi32>
      %mul3A_71 = arith.constant 76928 : i32
      %mul3A_72 = vector.broadcast %mul3A_71 : i32 to vector<16xi32>
      %mul3A_73 = arith.muli %select_n3A, %mul3A_72 : vector<16xi32>
      %sub3A_74 = arith.subi %get3A_44, %mul3A_73 : vector<16xi32>
      %add3A_75 = arith.addi %mul3A_70, %sub3A_74 : vector<16xi32>
      %add3A_76 = arith.constant 0 : i32
      %add3A_77 = vector.broadcast %add3A_76 : i32 to vector<16xi32>
      %add3A_78 = arith.addi %add3A_75, %add3A_77 : vector<16xi32>
      %mul3A_79 = arith.constant 16 : i32
      %mul3A_80 = arith.muli %scan3A_41, %mul3A_79 : i32
      %add3A_81 = arith.constant 0 : i32
      %add3A_82 = arith.addi %add3A_81, %mul3A_80 : i32
      %swap3A = arith.index_cast %add3A_82 : i32 to index
      %swap3A_83 = tpu.vector_load %arg6[%swap3A] {strides = array<i32>} : memref<8192xi32, #tpu.memory_space<vmem>>, vector<16xi32>,
      tpu.vector_store %arg6[%swap3A], %add3A_78 {strides = array<i32>} : memref<8192xi32, #tpu.memory_space<vmem>>, vector<16xi32>,
      %add3A_84 = arith.constant 76928 : i32
      %add3A_85 = vector.broadcast %add3A_84 : i32 to vector<16xi32>
      %add3A_86 = arith.addi %add3A_75, %add3A_85 : vector<16xi32>
      %mul3A_87 = arith.constant 16 : i32
      %mul3A_88 = arith.muli %scan3A_41, %mul3A_87 : i32
      %add3A_89 = arith.constant 512 : i32
      %add3A_90 = arith.addi %add3A_89, %mul3A_88 : i32
      %swap3A_91 = arith.index_cast %add3A_90 : i32 to index
      %swap3A_92 = tpu.vector_load %arg6[%swap3A_91] {strides = array<i32>} : memref<8192xi32, #tpu.memory_space<vmem>>, vector<16xi32>,
      tpu.vector_store %arg6[%swap3A_91], %add3A_86 {strides = array<i32>} : memref<8192xi32, #tpu.memory_space<vmem>>, vector<16xi32>,
      %add3A_93 = arith.constant 153856 : i32
      %add3A_94 = vector.broadcast %add3A_93 : i32 to vector<16xi32>
      %add3A_95 = arith.addi %add3A_75, %add3A_94 : vector<16xi32>
      %mul3A_96 = arith.constant 16 : i32
      %mul3A_97 = arith.muli %scan3A_41, %mul3A_96 : i32
      %add3A_98 = arith.constant 1024 : i32
      %add3A_99 = arith.addi %add3A_98, %mul3A_97 : i32
      %swap3A_100 = arith.index_cast %add3A_99 : i32 to index
      %swap3A_101 = tpu.vector_load %arg6[%swap3A_100] {strides = array<i32>} : memref<8192xi32, #tpu.memory_space<vmem>>, vector<16xi32>,
      tpu.vector_store %arg6[%swap3A_100], %add3A_95 {strides = array<i32>} : memref<8192xi32, #tpu.memory_space<vmem>>, vector<16xi32>,
      %add3A_102 = arith.constant 230784 : i32
      %add3A_103 = vector.broadcast %add3A_102 : i32 to vector<16xi32>
      %add3A_104 = arith.addi %add3A_75, %add3A_103 : vector<16xi32>
      %mul3A_105 = arith.constant 16 : i32
      %mul3A_106 = arith.muli %scan3A_41, %mul3A_105 : i32
      %add3A_107 = arith.constant 1536 : i32
      %add3A_108 = arith.addi %add3A_107, %mul3A_106 : i32
      %swap3A_109 = arith.index_cast %add3A_108 : i32 to index
      %swap3A_110 = tpu.vector_load %arg6[%swap3A_109] {strides = array<i32>} : memref<8192xi32, #tpu.memory_space<vmem>>, vector<16xi32>,
      tpu.vector_store %arg6[%swap3A_109], %add3A_104 {strides = array<i32>} : memref<8192xi32, #tpu.memory_space<vmem>>, vector<16xi32>,
      %add3A_111 = arith.constant 307712 : i32
      %add3A_112 = vector.broadcast %add3A_111 : i32 to vector<16xi32>
      %add3A_113 = arith.addi %add3A_75, %add3A_112 : vector<16xi32>
      %mul3A_114 = arith.constant 16 : i32
      %mul3A_115 = arith.muli %scan3A_41, %mul3A_114 : i32
      %add3A_116 = arith.constant 2048 : i32
      %add3A_117 = arith.addi %add3A_116, %mul3A_115 : i32
      %swap3A_118 = arith.index_cast %add3A_117 : i32 to index
      %swap3A_119 = tpu.vector_load %arg6[%swap3A_118] {strides = array<i32>} : memref<8192xi32, #tpu.memory_space<vmem>>, vector<16xi32>,
      tpu.vector_store %arg6[%swap3A_118], %add3A_113 {strides = array<i32>} : memref<8192xi32, #tpu.memory_space<vmem>>, vector<16xi32>,
      %add3A_120 = arith.constant 384640 : i32
      %add3A_121 = vector.broadcast %add3A_120 : i32 to vector<16xi32>
      %add3A_122 = arith.addi %add3A_75, %add3A_121 : vector<16xi32>
      %mul3A_123 = arith.constant 16 : i32
      %mul3A_124 = arith.muli %scan3A_41, %mul3A_123 : i32
      %add3A_125 = arith.constant 2560 : i32
      %add3A_126 = arith.addi %add3A_125, %mul3A_124 : i32
      %swap3A_127 = arith.index_cast %add3A_126 : i32 to index
      %swap3A_128 = tpu.vector_load %arg6[%swap3A_127] {strides = array<i32>} : memref<8192xi32, #tpu.memory_space<vmem>>, vector<16xi32>,
      tpu.vector_store %arg6[%swap3A_127], %add3A_122 {strides = array<i32>} : memref<8192xi32, #tpu.memory_space<vmem>>, vector<16xi32>,
      %add3A_129 = arith.constant 461568 : i32
      %add3A_130 = vector.broadcast %add3A_129 : i32 to vector<16xi32>
      %add3A_131 = arith.addi %add3A_75, %add3A_130 : vector<16xi32>
      %mul3A_132 = arith.constant 16 : i32
      %mul3A_133 = arith.muli %scan3A_41, %mul3A_132 : i32
      %add3A_134 = arith.constant 3072 : i32
      %add3A_135 = arith.addi %add3A_134, %mul3A_133 : i32
      %swap3A_136 = arith.index_cast %add3A_135 : i32 to index
      %swap3A_137 = tpu.vector_load %arg6[%swap3A_136] {strides = array<i32>} : memref<8192xi32, #tpu.memory_space<vmem>>, vector<16xi32>,
      tpu.vector_store %arg6[%swap3A_136], %add3A_131 {strides = array<i32>} : memref<8192xi32, #tpu.memory_space<vmem>>, vector<16xi32>,
      %add3A_138 = arith.constant 538496 : i32
      %add3A_139 = vector.broadcast %add3A_138 : i32 to vector<16xi32>
      %add3A_140 = arith.addi %add3A_75, %add3A_139 : vector<16xi32>
      %mul3A_141 = arith.constant 16 : i32
      %mul3A_142 = arith.muli %scan3A_41, %mul3A_141 : i32
      %add3A_143 = arith.constant 3584 : i32
      %add3A_144 = arith.addi %add3A_143, %mul3A_142 : i32
      %swap3A_145 = arith.index_cast %add3A_144 : i32 to index
      %swap3A_146 = tpu.vector_load %arg6[%swap3A_145] {strides = array<i32>} : memref<8192xi32, #tpu.memory_space<vmem>>, vector<16xi32>,
      tpu.vector_store %arg6[%swap3A_145], %add3A_140 {strides = array<i32>} : memref<8192xi32, #tpu.memory_space<vmem>>, vector<16xi32>,
      %add3A_147 = arith.constant 615424 : i32
      %add3A_148 = vector.broadcast %add3A_147 : i32 to vector<16xi32>
      %add3A_149 = arith.addi %add3A_75, %add3A_148 : vector<16xi32>
      %mul3A_150 = arith.constant 16 : i32
      %mul3A_151 = arith.muli %scan3A_41, %mul3A_150 : i32
      %add3A_152 = arith.constant 4096 : i32
      %add3A_153 = arith.addi %add3A_152, %mul3A_151 : i32
      %swap3A_154 = arith.index_cast %add3A_153 : i32 to index
      %swap3A_155 = tpu.vector_load %arg6[%swap3A_154] {strides = array<i32>} : memref<8192xi32, #tpu.memory_space<vmem>>, vector<16xi32>,
      tpu.vector_store %arg6[%swap3A_154], %add3A_149 {strides = array<i32>} : memref<8192xi32, #tpu.memory_space<vmem>>, vector<16xi32>,
      %add3A_156 = arith.constant 692352 : i32
      %add3A_157 = vector.broadcast %add3A_156 : i32 to vector<16xi32>
      %add3A_158 = arith.addi %add3A_75, %add3A_157 : vector<16xi32>
      %mul3A_159 = arith.constant 16 : i32
      %mul3A_160 = arith.muli %scan3A_41, %mul3A_159 : i32
      %add3A_161 = arith.constant 4608 : i32
      %add3A_162 = arith.addi %add3A_161, %mul3A_160 : i32
      %swap3A_163 = arith.index_cast %add3A_162 : i32 to index
      %swap3A_164 = tpu.vector_load %arg6[%swap3A_163] {strides = array<i32>} : memref<8192xi32, #tpu.memory_space<vmem>>, vector<16xi32>,
      tpu.vector_store %arg6[%swap3A_163], %add3A_158 {strides = array<i32>} : memref<8192xi32, #tpu.memory_space<vmem>>, vector<16xi32>,
      %add3A_165 = arith.constant 769280 : i32
      %add3A_166 = vector.broadcast %add3A_165 : i32 to vector<16xi32>
      %add3A_167 = arith.addi %add3A_75, %add3A_166 : vector<16xi32>
      %mul3A_168 = arith.constant 16 : i32
      %mul3A_169 = arith.muli %scan3A_41, %mul3A_168 : i32
      %add3A_170 = arith.constant 5120 : i32
      %add3A_171 = arith.addi %add3A_170, %mul3A_169 : i32
      %swap3A_172 = arith.index_cast %add3A_171 : i32 to index
      %swap3A_173 = tpu.vector_load %arg6[%swap3A_172] {strides = array<i32>} : memref<8192xi32, #tpu.memory_space<vmem>>, vector<16xi32>,
      tpu.vector_store %arg6[%swap3A_172], %add3A_167 {strides = array<i32>} : memref<8192xi32, #tpu.memory_space<vmem>>, vector<16xi32>,
      %add3A_174 = arith.constant 846208 : i32
      %add3A_175 = vector.broadcast %add3A_174 : i32 to vector<16xi32>
      %add3A_176 = arith.addi %add3A_75, %add3A_175 : vector<16xi32>
      %mul3A_177 = arith.constant 16 : i32
      %mul3A_178 = arith.muli %scan3A_41, %mul3A_177 : i32
      %add3A_179 = arith.constant 5632 : i32
      %add3A_180 = arith.addi %add3A_179, %mul3A_178 : i32
      %swap3A_181 = arith.index_cast %add3A_180 : i32 to index
      %swap3A_182 = tpu.vector_load %arg6[%swap3A_181] {strides = array<i32>} : memref<8192xi32, #tpu.memory_space<vmem>>, vector<16xi32>,
      tpu.vector_store %arg6[%swap3A_181], %add3A_176 {strides = array<i32>} : memref<8192xi32, #tpu.memory_space<vmem>>, vector<16xi32>,
      %add3A_183 = arith.constant 923136 : i32
      %add3A_184 = vector.broadcast %add3A_183 : i32 to vector<16xi32>
      %add3A_185 = arith.addi %add3A_75, %add3A_184 : vector<16xi32>
      %mul3A_186 = arith.constant 16 : i32
      %mul3A_187 = arith.muli %scan3A_41, %mul3A_186 : i32
      %add3A_188 = arith.constant 6144 : i32
      %add3A_189 = arith.addi %add3A_188, %mul3A_187 : i32
      %swap3A_190 = arith.index_cast %add3A_189 : i32 to index
      %swap3A_191 = tpu.vector_load %arg6[%swap3A_190] {strides = array<i32>} : memref<8192xi32, #tpu.memory_space<vmem>>, vector<16xi32>,
      tpu.vector_store %arg6[%swap3A_190], %add3A_185 {strides = array<i32>} : memref<8192xi32, #tpu.memory_space<vmem>>, vector<16xi32>,
      %add3A_192 = arith.constant 1000064 : i32
      %add3A_193 = vector.broadcast %add3A_192 : i32 to vector<16xi32>
      %add3A_194 = arith.addi %add3A_75, %add3A_193 : vector<16xi32>
      %mul3A_195 = arith.constant 16 : i32
      %mul3A_196 = arith.muli %scan3A_41, %mul3A_195 : i32
      %add3A_197 = arith.constant 6656 : i32
      %add3A_198 = arith.addi %add3A_197, %mul3A_196 : i32
      %swap3A_199 = arith.index_cast %add3A_198 : i32 to index
      %swap3A_200 = tpu.vector_load %arg6[%swap3A_199] {strides = array<i32>} : memref<8192xi32, #tpu.memory_space<vmem>>, vector<16xi32>,
      tpu.vector_store %arg6[%swap3A_199], %add3A_194 {strides = array<i32>} : memref<8192xi32, #tpu.memory_space<vmem>>, vector<16xi32>,
      %add3A_201 = arith.constant 1076992 : i32
      %add3A_202 = vector.broadcast %add3A_201 : i32 to vector<16xi32>
      %add3A_203 = arith.addi %add3A_75, %add3A_202 : vector<16xi32>
      %mul3A_204 = arith.constant 16 : i32
      %mul3A_205 = arith.muli %scan3A_41, %mul3A_204 : i32
      %add3A_206 = arith.constant 7168 : i32
      %add3A_207 = arith.addi %add3A_206, %mul3A_205 : i32
      %swap3A_208 = arith.index_cast %add3A_207 : i32 to index
      %swap3A_209 = tpu.vector_load %arg6[%swap3A_208] {strides = array<i32>} : memref<8192xi32, #tpu.memory_space<vmem>>, vector<16xi32>,
      tpu.vector_store %arg6[%swap3A_208], %add3A_203 {strides = array<i32>} : memref<8192xi32, #tpu.memory_space<vmem>>, vector<16xi32>,
      %add3A_210 = arith.constant 1153920 : i32
      %add3A_211 = vector.broadcast %add3A_210 : i32 to vector<16xi32>
      %add3A_212 = arith.addi %add3A_75, %add3A_211 : vector<16xi32>
      %mul3A_213 = arith.constant 16 : i32
      %mul3A_214 = arith.muli %scan3A_41, %mul3A_213 : i32
      %add3A_215 = arith.constant 7680 : i32
      %add3A_216 = arith.addi %add3A_215, %mul3A_214 : i32
      %swap3A_217 = arith.index_cast %add3A_216 : i32 to index
      %swap3A_218 = tpu.vector_load %arg6[%swap3A_217] {strides = array<i32>} : memref<8192xi32, #tpu.memory_space<vmem>>, vector<16xi32>,
      tpu.vector_store %arg6[%swap3A_217], %add3A_212 {strides = array<i32>} : memref<8192xi32, #tpu.memory_space<vmem>>, vector<16xi32>,
    }
    %scan3A_6 = arith.constant 32 : i32
    %dma_start3A = arith.constant 0 : i32
    %dma_start3A_7 = tpu.memref_slice %arg2[%dma_start3A] : memref<16001024xf32, #tpu.memory_space<hbm>> -> memref<16001024xf32, #tpu.memory_space<hbm>>
    tpu.enqueue_indirect_dma source(%dma_start3A_7 : memref<16001024xf32, #tpu.memory_space<hbm>>) target(%arg7 : memref<8192xf32, #tpu.memory_space<vmem>>) offsets(%arg6 : memref<8192xi32, #tpu.memory_space<vmem>>) semaphore(%arg8 : memref<!tpu.dma_semaphore, #tpu.memory_space<semaphore_mem>>)
    %dma_wait3A = arith.constant 0 : i32
    %dma_wait3A_8 = tpu.memref_slice %arg2[%dma_wait3A] : memref<16001024xf32, #tpu.memory_space<hbm>> -> memref<16001024xf32, #tpu.memory_space<hbm>>
    tpu.wait_indirect_dma semaphore(%arg8 : memref<!tpu.dma_semaphore, #tpu.memory_space<semaphore_mem>>) src(%dma_wait3A_8 : memref<16001024xf32, #tpu.memory_space<hbm>>) dst(%arg7 : memref<8192xf32, #tpu.memory_space<vmem>>)
    %add3A_9 = arith.constant 0 : i32
    %add3A_10 = arith.addi %add3A_9, %mul3A_2 : i32
    "tpu.region"() ({
      %run_scoped3A = tpu.sem_alloc : memref<!tpu.dma_semaphore, #tpu.memory_space<semaphore_mem>>
      %dma_start3A_41 = arith.constant 0 : i32
      %dma_start3A_42 = tpu.memref_slice %arg7[%dma_start3A_41] : memref<8192xf32, #tpu.memory_space<vmem>> -> memref<512xf32, #tpu.memory_space<vmem>>
      %dma_start3A_43 = tpu.memref_slice %arg4[%add3A_10] : memref<262144xf32, #tpu.memory_space<hbm>> -> memref<512xf32, #tpu.memory_space<hbm>>
      %dma_start3A_44 = tpu.memref_slice %arg4[%add3A_10] : memref<262144xf32, #tpu.memory_space<hbm>> -> memref<512xf32, #tpu.memory_space<hbm>>
      %dma_start3A_45 = arith.constant 0 : i32
      %dma_start3A_46 = tpu.memref_slice %arg7[%dma_start3A_45] : memref<8192xf32, #tpu.memory_space<vmem>> -> memref<512xf32, #tpu.memory_space<vmem>>
      tpu.enqueue_dma source(%dma_start3A_46 : memref<512xf32, #tpu.memory_space<vmem>>) target(%dma_start3A_44 : memref<512xf32, #tpu.memory_space<hbm>>) target_semaphore(%run_scoped3A : memref<!tpu.dma_semaphore, #tpu.memory_space<semaphore_mem>>)
      %dma_wait3A_47 = arith.constant 0 : i32
      %dma_wait3A_48 = tpu.memref_slice %arg7[%dma_wait3A_47] : memref<8192xf32, #tpu.memory_space<vmem>> -> memref<512xf32, #tpu.memory_space<vmem>>
      %dma_wait3A_49 = tpu.memref_slice %arg4[%add3A_10] : memref<262144xf32, #tpu.memory_space<hbm>> -> memref<512xf32, #tpu.memory_space<hbm>>
      %dma_wait3A_50 = tpu.memref_slice %arg4[%add3A_10] : memref<262144xf32, #tpu.memory_space<hbm>> -> memref<512xf32, #tpu.memory_space<hbm>>
      %dma_wait3A_51 = arith.constant 0 : i32
      %dma_wait3A_52 = tpu.memref_slice %arg7[%dma_wait3A_51] : memref<8192xf32, #tpu.memory_space<vmem>> -> memref<512xf32, #tpu.memory_space<vmem>>
      tpu.wait_dma2 semaphore(%run_scoped3A : memref<!tpu.dma_semaphore, #tpu.memory_space<semaphore_mem>>) src(%dma_wait3A_52 : memref<512xf32, #tpu.memory_space<vmem>>) dst(%dma_wait3A_50 : memref<512xf32, #tpu.memory_space<hbm>>)
      tpu.yield
    }) : () -> ()
    %add3A_11 = arith.constant 16384 : i32
    %add3A_12 = arith.addi %add3A_11, %mul3A_2 : i32
    "tpu.region"() ({
      %run_scoped3A = tpu.sem_alloc : memref<!tpu.dma_semaphore, #tpu.memory_space<semaphore_mem>>
      %dma_start3A_41 = arith.constant 512 : i32
      %dma_start3A_42 = tpu.memref_slice %arg7[%dma_start3A_41] : memref<8192xf32, #tpu.memory_space<vmem>> -> memref<512xf32, #tpu.memory_space<vmem>>
      %dma_start3A_43 = tpu.memref_slice %arg4[%add3A_12] : memref<262144xf32, #tpu.memory_space<hbm>> -> memref<512xf32, #tpu.memory_space<hbm>>
      %dma_start3A_44 = tpu.memref_slice %arg4[%add3A_12] : memref<262144xf32, #tpu.memory_space<hbm>> -> memref<512xf32, #tpu.memory_space<hbm>>
      %dma_start3A_45 = arith.constant 512 : i32
      %dma_start3A_46 = tpu.memref_slice %arg7[%dma_start3A_45] : memref<8192xf32, #tpu.memory_space<vmem>> -> memref<512xf32, #tpu.memory_space<vmem>>
      tpu.enqueue_dma source(%dma_start3A_46 : memref<512xf32, #tpu.memory_space<vmem>>) target(%dma_start3A_44 : memref<512xf32, #tpu.memory_space<hbm>>) target_semaphore(%run_scoped3A : memref<!tpu.dma_semaphore, #tpu.memory_space<semaphore_mem>>)
      %dma_wait3A_47 = arith.constant 512 : i32
      %dma_wait3A_48 = tpu.memref_slice %arg7[%dma_wait3A_47] : memref<8192xf32, #tpu.memory_space<vmem>> -> memref<512xf32, #tpu.memory_space<vmem>>
      %dma_wait3A_49 = tpu.memref_slice %arg4[%add3A_12] : memref<262144xf32, #tpu.memory_space<hbm>> -> memref<512xf32, #tpu.memory_space<hbm>>
      %dma_wait3A_50 = tpu.memref_slice %arg4[%add3A_12] : memref<262144xf32, #tpu.memory_space<hbm>> -> memref<512xf32, #tpu.memory_space<hbm>>
      %dma_wait3A_51 = arith.constant 512 : i32
      %dma_wait3A_52 = tpu.memref_slice %arg7[%dma_wait3A_51] : memref<8192xf32, #tpu.memory_space<vmem>> -> memref<512xf32, #tpu.memory_space<vmem>>
      tpu.wait_dma2 semaphore(%run_scoped3A : memref<!tpu.dma_semaphore, #tpu.memory_space<semaphore_mem>>) src(%dma_wait3A_52 : memref<512xf32, #tpu.memory_space<vmem>>) dst(%dma_wait3A_50 : memref<512xf32, #tpu.memory_space<hbm>>)
      tpu.yield
    }) : () -> ()
    %add3A_13 = arith.constant 32768 : i32
    %add3A_14 = arith.addi %add3A_13, %mul3A_2 : i32
    "tpu.region"() ({
      %run_scoped3A = tpu.sem_alloc : memref<!tpu.dma_semaphore, #tpu.memory_space<semaphore_mem>>
      %dma_start3A_41 = arith.constant 1024 : i32
      %dma_start3A_42 = tpu.memref_slice %arg7[%dma_start3A_41] : memref<8192xf32, #tpu.memory_space<vmem>> -> memref<512xf32, #tpu.memory_space<vmem>>
      %dma_start3A_43 = tpu.memref_slice %arg4[%add3A_14] : memref<262144xf32, #tpu.memory_space<hbm>> -> memref<512xf32, #tpu.memory_space<hbm>>
      %dma_start3A_44 = tpu.memref_slice %arg4[%add3A_14] : memref<262144xf32, #tpu.memory_space<hbm>> -> memref<512xf32, #tpu.memory_space<hbm>>
      %dma_start3A_45 = arith.constant 1024 : i32
      %dma_start3A_46 = tpu.memref_slice %arg7[%dma_start3A_45] : memref<8192xf32, #tpu.memory_space<vmem>> -> memref<512xf32, #tpu.memory_space<vmem>>
      tpu.enqueue_dma source(%dma_start3A_46 : memref<512xf32, #tpu.memory_space<vmem>>) target(%dma_start3A_44 : memref<512xf32, #tpu.memory_space<hbm>>) target_semaphore(%run_scoped3A : memref<!tpu.dma_semaphore, #tpu.memory_space<semaphore_mem>>)
      %dma_wait3A_47 = arith.constant 1024 : i32
      %dma_wait3A_48 = tpu.memref_slice %arg7[%dma_wait3A_47] : memref<8192xf32, #tpu.memory_space<vmem>> -> memref<512xf32, #tpu.memory_space<vmem>>
      %dma_wait3A_49 = tpu.memref_slice %arg4[%add3A_14] : memref<262144xf32, #tpu.memory_space<hbm>> -> memref<512xf32, #tpu.memory_space<hbm>>
      %dma_wait3A_50 = tpu.memref_slice %arg4[%add3A_14] : memref<262144xf32, #tpu.memory_space<hbm>> -> memref<512xf32, #tpu.memory_space<hbm>>
      %dma_wait3A_51 = arith.constant 1024 : i32
      %dma_wait3A_52 = tpu.memref_slice %arg7[%dma_wait3A_51] : memref<8192xf32, #tpu.memory_space<vmem>> -> memref<512xf32, #tpu.memory_space<vmem>>
      tpu.wait_dma2 semaphore(%run_scoped3A : memref<!tpu.dma_semaphore, #tpu.memory_space<semaphore_mem>>) src(%dma_wait3A_52 : memref<512xf32, #tpu.memory_space<vmem>>) dst(%dma_wait3A_50 : memref<512xf32, #tpu.memory_space<hbm>>)
      tpu.yield
    }) : () -> ()
    %add3A_15 = arith.constant 49152 : i32
    %add3A_16 = arith.addi %add3A_15, %mul3A_2 : i32
    "tpu.region"() ({
      %run_scoped3A = tpu.sem_alloc : memref<!tpu.dma_semaphore, #tpu.memory_space<semaphore_mem>>
      %dma_start3A_41 = arith.constant 1536 : i32
      %dma_start3A_42 = tpu.memref_slice %arg7[%dma_start3A_41] : memref<8192xf32, #tpu.memory_space<vmem>> -> memref<512xf32, #tpu.memory_space<vmem>>
      %dma_start3A_43 = tpu.memref_slice %arg4[%add3A_16] : memref<262144xf32, #tpu.memory_space<hbm>> -> memref<512xf32, #tpu.memory_space<hbm>>
      %dma_start3A_44 = tpu.memref_slice %arg4[%add3A_16] : memref<262144xf32, #tpu.memory_space<hbm>> -> memref<512xf32, #tpu.memory_space<hbm>>
      %dma_start3A_45 = arith.constant 1536 : i32
      %dma_start3A_46 = tpu.memref_slice %arg7[%dma_start3A_45] : memref<8192xf32, #tpu.memory_space<vmem>> -> memref<512xf32, #tpu.memory_space<vmem>>
      tpu.enqueue_dma source(%dma_start3A_46 : memref<512xf32, #tpu.memory_space<vmem>>) target(%dma_start3A_44 : memref<512xf32, #tpu.memory_space<hbm>>) target_semaphore(%run_scoped3A : memref<!tpu.dma_semaphore, #tpu.memory_space<semaphore_mem>>)
      %dma_wait3A_47 = arith.constant 1536 : i32
      %dma_wait3A_48 = tpu.memref_slice %arg7[%dma_wait3A_47] : memref<8192xf32, #tpu.memory_space<vmem>> -> memref<512xf32, #tpu.memory_space<vmem>>
      %dma_wait3A_49 = tpu.memref_slice %arg4[%add3A_16] : memref<262144xf32, #tpu.memory_space<hbm>> -> memref<512xf32, #tpu.memory_space<hbm>>
      %dma_wait3A_50 = tpu.memref_slice %arg4[%add3A_16] : memref<262144xf32, #tpu.memory_space<hbm>> -> memref<512xf32, #tpu.memory_space<hbm>>
      %dma_wait3A_51 = arith.constant 1536 : i32
      %dma_wait3A_52 = tpu.memref_slice %arg7[%dma_wait3A_51] : memref<8192xf32, #tpu.memory_space<vmem>> -> memref<512xf32, #tpu.memory_space<vmem>>
      tpu.wait_dma2 semaphore(%run_scoped3A : memref<!tpu.dma_semaphore, #tpu.memory_space<semaphore_mem>>) src(%dma_wait3A_52 : memref<512xf32, #tpu.memory_space<vmem>>) dst(%dma_wait3A_50 : memref<512xf32, #tpu.memory_space<hbm>>)
      tpu.yield
    }) : () -> ()
    %add3A_17 = arith.constant 65536 : i32
    %add3A_18 = arith.addi %add3A_17, %mul3A_2 : i32
    "tpu.region"() ({
      %run_scoped3A = tpu.sem_alloc : memref<!tpu.dma_semaphore, #tpu.memory_space<semaphore_mem>>
      %dma_start3A_41 = arith.constant 2048 : i32
      %dma_start3A_42 = tpu.memref_slice %arg7[%dma_start3A_41] : memref<8192xf32, #tpu.memory_space<vmem>> -> memref<512xf32, #tpu.memory_space<vmem>>
      %dma_start3A_43 = tpu.memref_slice %arg4[%add3A_18] : memref<262144xf32, #tpu.memory_space<hbm>> -> memref<512xf32, #tpu.memory_space<hbm>>
      %dma_start3A_44 = tpu.memref_slice %arg4[%add3A_18] : memref<262144xf32, #tpu.memory_space<hbm>> -> memref<512xf32, #tpu.memory_space<hbm>>
      %dma_start3A_45 = arith.constant 2048 : i32
      %dma_start3A_46 = tpu.memref_slice %arg7[%dma_start3A_45] : memref<8192xf32, #tpu.memory_space<vmem>> -> memref<512xf32, #tpu.memory_space<vmem>>
      tpu.enqueue_dma source(%dma_start3A_46 : memref<512xf32, #tpu.memory_space<vmem>>) target(%dma_start3A_44 : memref<512xf32, #tpu.memory_space<hbm>>) target_semaphore(%run_scoped3A : memref<!tpu.dma_semaphore, #tpu.memory_space<semaphore_mem>>)
      %dma_wait3A_47 = arith.constant 2048 : i32
      %dma_wait3A_48 = tpu.memref_slice %arg7[%dma_wait3A_47] : memref<8192xf32, #tpu.memory_space<vmem>> -> memref<512xf32, #tpu.memory_space<vmem>>
      %dma_wait3A_49 = tpu.memref_slice %arg4[%add3A_18] : memref<262144xf32, #tpu.memory_space<hbm>> -> memref<512xf32, #tpu.memory_space<hbm>>
      %dma_wait3A_50 = tpu.memref_slice %arg4[%add3A_18] : memref<262144xf32, #tpu.memory_space<hbm>> -> memref<512xf32, #tpu.memory_space<hbm>>
      %dma_wait3A_51 = arith.constant 2048 : i32
      %dma_wait3A_52 = tpu.memref_slice %arg7[%dma_wait3A_51] : memref<8192xf32, #tpu.memory_space<vmem>> -> memref<512xf32, #tpu.memory_space<vmem>>
      tpu.wait_dma2 semaphore(%run_scoped3A : memref<!tpu.dma_semaphore, #tpu.memory_space<semaphore_mem>>) src(%dma_wait3A_52 : memref<512xf32, #tpu.memory_space<vmem>>) dst(%dma_wait3A_50 : memref<512xf32, #tpu.memory_space<hbm>>)
      tpu.yield
    }) : () -> ()
    %add3A_19 = arith.constant 81920 : i32
    %add3A_20 = arith.addi %add3A_19, %mul3A_2 : i32
    "tpu.region"() ({
      %run_scoped3A = tpu.sem_alloc : memref<!tpu.dma_semaphore, #tpu.memory_space<semaphore_mem>>
      %dma_start3A_41 = arith.constant 2560 : i32
      %dma_start3A_42 = tpu.memref_slice %arg7[%dma_start3A_41] : memref<8192xf32, #tpu.memory_space<vmem>> -> memref<512xf32, #tpu.memory_space<vmem>>
      %dma_start3A_43 = tpu.memref_slice %arg4[%add3A_20] : memref<262144xf32, #tpu.memory_space<hbm>> -> memref<512xf32, #tpu.memory_space<hbm>>
      %dma_start3A_44 = tpu.memref_slice %arg4[%add3A_20] : memref<262144xf32, #tpu.memory_space<hbm>> -> memref<512xf32, #tpu.memory_space<hbm>>
      %dma_start3A_45 = arith.constant 2560 : i32
      %dma_start3A_46 = tpu.memref_slice %arg7[%dma_start3A_45] : memref<8192xf32, #tpu.memory_space<vmem>> -> memref<512xf32, #tpu.memory_space<vmem>>
      tpu.enqueue_dma source(%dma_start3A_46 : memref<512xf32, #tpu.memory_space<vmem>>) target(%dma_start3A_44 : memref<512xf32, #tpu.memory_space<hbm>>) target_semaphore(%run_scoped3A : memref<!tpu.dma_semaphore, #tpu.memory_space<semaphore_mem>>)
      %dma_wait3A_47 = arith.constant 2560 : i32
      %dma_wait3A_48 = tpu.memref_slice %arg7[%dma_wait3A_47] : memref<8192xf32, #tpu.memory_space<vmem>> -> memref<512xf32, #tpu.memory_space<vmem>>
      %dma_wait3A_49 = tpu.memref_slice %arg4[%add3A_20] : memref<262144xf32, #tpu.memory_space<hbm>> -> memref<512xf32, #tpu.memory_space<hbm>>
      %dma_wait3A_50 = tpu.memref_slice %arg4[%add3A_20] : memref<262144xf32, #tpu.memory_space<hbm>> -> memref<512xf32, #tpu.memory_space<hbm>>
      %dma_wait3A_51 = arith.constant 2560 : i32
      %dma_wait3A_52 = tpu.memref_slice %arg7[%dma_wait3A_51] : memref<8192xf32, #tpu.memory_space<vmem>> -> memref<512xf32, #tpu.memory_space<vmem>>
      tpu.wait_dma2 semaphore(%run_scoped3A : memref<!tpu.dma_semaphore, #tpu.memory_space<semaphore_mem>>) src(%dma_wait3A_52 : memref<512xf32, #tpu.memory_space<vmem>>) dst(%dma_wait3A_50 : memref<512xf32, #tpu.memory_space<hbm>>)
      tpu.yield
    }) : () -> ()
    %add3A_21 = arith.constant 98304 : i32
    %add3A_22 = arith.addi %add3A_21, %mul3A_2 : i32
    "tpu.region"() ({
      %run_scoped3A = tpu.sem_alloc : memref<!tpu.dma_semaphore, #tpu.memory_space<semaphore_mem>>
      %dma_start3A_41 = arith.constant 3072 : i32
      %dma_start3A_42 = tpu.memref_slice %arg7[%dma_start3A_41] : memref<8192xf32, #tpu.memory_space<vmem>> -> memref<512xf32, #tpu.memory_space<vmem>>
      %dma_start3A_43 = tpu.memref_slice %arg4[%add3A_22] : memref<262144xf32, #tpu.memory_space<hbm>> -> memref<512xf32, #tpu.memory_space<hbm>>
      %dma_start3A_44 = tpu.memref_slice %arg4[%add3A_22] : memref<262144xf32, #tpu.memory_space<hbm>> -> memref<512xf32, #tpu.memory_space<hbm>>
      %dma_start3A_45 = arith.constant 3072 : i32
      %dma_start3A_46 = tpu.memref_slice %arg7[%dma_start3A_45] : memref<8192xf32, #tpu.memory_space<vmem>> -> memref<512xf32, #tpu.memory_space<vmem>>
      tpu.enqueue_dma source(%dma_start3A_46 : memref<512xf32, #tpu.memory_space<vmem>>) target(%dma_start3A_44 : memref<512xf32, #tpu.memory_space<hbm>>) target_semaphore(%run_scoped3A : memref<!tpu.dma_semaphore, #tpu.memory_space<semaphore_mem>>)
      %dma_wait3A_47 = arith.constant 3072 : i32
      %dma_wait3A_48 = tpu.memref_slice %arg7[%dma_wait3A_47] : memref<8192xf32, #tpu.memory_space<vmem>> -> memref<512xf32, #tpu.memory_space<vmem>>
      %dma_wait3A_49 = tpu.memref_slice %arg4[%add3A_22] : memref<262144xf32, #tpu.memory_space<hbm>> -> memref<512xf32, #tpu.memory_space<hbm>>
      %dma_wait3A_50 = tpu.memref_slice %arg4[%add3A_22] : memref<262144xf32, #tpu.memory_space<hbm>> -> memref<512xf32, #tpu.memory_space<hbm>>
      %dma_wait3A_51 = arith.constant 3072 : i32
      %dma_wait3A_52 = tpu.memref_slice %arg7[%dma_wait3A_51] : memref<8192xf32, #tpu.memory_space<vmem>> -> memref<512xf32, #tpu.memory_space<vmem>>
      tpu.wait_dma2 semaphore(%run_scoped3A : memref<!tpu.dma_semaphore, #tpu.memory_space<semaphore_mem>>) src(%dma_wait3A_52 : memref<512xf32, #tpu.memory_space<vmem>>) dst(%dma_wait3A_50 : memref<512xf32, #tpu.memory_space<hbm>>)
      tpu.yield
    }) : () -> ()
    %add3A_23 = arith.constant 114688 : i32
    %add3A_24 = arith.addi %add3A_23, %mul3A_2 : i32
    "tpu.region"() ({
      %run_scoped3A = tpu.sem_alloc : memref<!tpu.dma_semaphore, #tpu.memory_space<semaphore_mem>>
      %dma_start3A_41 = arith.constant 3584 : i32
      %dma_start3A_42 = tpu.memref_slice %arg7[%dma_start3A_41] : memref<8192xf32, #tpu.memory_space<vmem>> -> memref<512xf32, #tpu.memory_space<vmem>>
      %dma_start3A_43 = tpu.memref_slice %arg4[%add3A_24] : memref<262144xf32, #tpu.memory_space<hbm>> -> memref<512xf32, #tpu.memory_space<hbm>>
      %dma_start3A_44 = tpu.memref_slice %arg4[%add3A_24] : memref<262144xf32, #tpu.memory_space<hbm>> -> memref<512xf32, #tpu.memory_space<hbm>>
      %dma_start3A_45 = arith.constant 3584 : i32
      %dma_start3A_46 = tpu.memref_slice %arg7[%dma_start3A_45] : memref<8192xf32, #tpu.memory_space<vmem>> -> memref<512xf32, #tpu.memory_space<vmem>>
      tpu.enqueue_dma source(%dma_start3A_46 : memref<512xf32, #tpu.memory_space<vmem>>) target(%dma_start3A_44 : memref<512xf32, #tpu.memory_space<hbm>>) target_semaphore(%run_scoped3A : memref<!tpu.dma_semaphore, #tpu.memory_space<semaphore_mem>>)
      %dma_wait3A_47 = arith.constant 3584 : i32
      %dma_wait3A_48 = tpu.memref_slice %arg7[%dma_wait3A_47] : memref<8192xf32, #tpu.memory_space<vmem>> -> memref<512xf32, #tpu.memory_space<vmem>>
      %dma_wait3A_49 = tpu.memref_slice %arg4[%add3A_24] : memref<262144xf32, #tpu.memory_space<hbm>> -> memref<512xf32, #tpu.memory_space<hbm>>
      %dma_wait3A_50 = tpu.memref_slice %arg4[%add3A_24] : memref<262144xf32, #tpu.memory_space<hbm>> -> memref<512xf32, #tpu.memory_space<hbm>>
      %dma_wait3A_51 = arith.constant 3584 : i32
      %dma_wait3A_52 = tpu.memref_slice %arg7[%dma_wait3A_51] : memref<8192xf32, #tpu.memory_space<vmem>> -> memref<512xf32, #tpu.memory_space<vmem>>
      tpu.wait_dma2 semaphore(%run_scoped3A : memref<!tpu.dma_semaphore, #tpu.memory_space<semaphore_mem>>) src(%dma_wait3A_52 : memref<512xf32, #tpu.memory_space<vmem>>) dst(%dma_wait3A_50 : memref<512xf32, #tpu.memory_space<hbm>>)
      tpu.yield
    }) : () -> ()
    %add3A_25 = arith.constant 131072 : i32
    %add3A_26 = arith.addi %add3A_25, %mul3A_2 : i32
    "tpu.region"() ({
      %run_scoped3A = tpu.sem_alloc : memref<!tpu.dma_semaphore, #tpu.memory_space<semaphore_mem>>
      %dma_start3A_41 = arith.constant 4096 : i32
      %dma_start3A_42 = tpu.memref_slice %arg7[%dma_start3A_41] : memref<8192xf32, #tpu.memory_space<vmem>> -> memref<512xf32, #tpu.memory_space<vmem>>
      %dma_start3A_43 = tpu.memref_slice %arg4[%add3A_26] : memref<262144xf32, #tpu.memory_space<hbm>> -> memref<512xf32, #tpu.memory_space<hbm>>
      %dma_start3A_44 = tpu.memref_slice %arg4[%add3A_26] : memref<262144xf32, #tpu.memory_space<hbm>> -> memref<512xf32, #tpu.memory_space<hbm>>
      %dma_start3A_45 = arith.constant 4096 : i32
      %dma_start3A_46 = tpu.memref_slice %arg7[%dma_start3A_45] : memref<8192xf32, #tpu.memory_space<vmem>> -> memref<512xf32, #tpu.memory_space<vmem>>
      tpu.enqueue_dma source(%dma_start3A_46 : memref<512xf32, #tpu.memory_space<vmem>>) target(%dma_start3A_44 : memref<512xf32, #tpu.memory_space<hbm>>) target_semaphore(%run_scoped3A : memref<!tpu.dma_semaphore, #tpu.memory_space<semaphore_mem>>)
      %dma_wait3A_47 = arith.constant 4096 : i32
      %dma_wait3A_48 = tpu.memref_slice %arg7[%dma_wait3A_47] : memref<8192xf32, #tpu.memory_space<vmem>> -> memref<512xf32, #tpu.memory_space<vmem>>
      %dma_wait3A_49 = tpu.memref_slice %arg4[%add3A_26] : memref<262144xf32, #tpu.memory_space<hbm>> -> memref<512xf32, #tpu.memory_space<hbm>>
      %dma_wait3A_50 = tpu.memref_slice %arg4[%add3A_26] : memref<262144xf32, #tpu.memory_space<hbm>> -> memref<512xf32, #tpu.memory_space<hbm>>
      %dma_wait3A_51 = arith.constant 4096 : i32
      %dma_wait3A_52 = tpu.memref_slice %arg7[%dma_wait3A_51] : memref<8192xf32, #tpu.memory_space<vmem>> -> memref<512xf32, #tpu.memory_space<vmem>>
      tpu.wait_dma2 semaphore(%run_scoped3A : memref<!tpu.dma_semaphore, #tpu.memory_space<semaphore_mem>>) src(%dma_wait3A_52 : memref<512xf32, #tpu.memory_space<vmem>>) dst(%dma_wait3A_50 : memref<512xf32, #tpu.memory_space<hbm>>)
      tpu.yield
    }) : () -> ()
    %add3A_27 = arith.constant 147456 : i32
    %add3A_28 = arith.addi %add3A_27, %mul3A_2 : i32
    "tpu.region"() ({
      %run_scoped3A = tpu.sem_alloc : memref<!tpu.dma_semaphore, #tpu.memory_space<semaphore_mem>>
      %dma_start3A_41 = arith.constant 4608 : i32
      %dma_start3A_42 = tpu.memref_slice %arg7[%dma_start3A_41] : memref<8192xf32, #tpu.memory_space<vmem>> -> memref<512xf32, #tpu.memory_space<vmem>>
      %dma_start3A_43 = tpu.memref_slice %arg4[%add3A_28] : memref<262144xf32, #tpu.memory_space<hbm>> -> memref<512xf32, #tpu.memory_space<hbm>>
      %dma_start3A_44 = tpu.memref_slice %arg4[%add3A_28] : memref<262144xf32, #tpu.memory_space<hbm>> -> memref<512xf32, #tpu.memory_space<hbm>>
      %dma_start3A_45 = arith.constant 4608 : i32
      %dma_start3A_46 = tpu.memref_slice %arg7[%dma_start3A_45] : memref<8192xf32, #tpu.memory_space<vmem>> -> memref<512xf32, #tpu.memory_space<vmem>>
      tpu.enqueue_dma source(%dma_start3A_46 : memref<512xf32, #tpu.memory_space<vmem>>) target(%dma_start3A_44 : memref<512xf32, #tpu.memory_space<hbm>>) target_semaphore(%run_scoped3A : memref<!tpu.dma_semaphore, #tpu.memory_space<semaphore_mem>>)
      %dma_wait3A_47 = arith.constant 4608 : i32
      %dma_wait3A_48 = tpu.memref_slice %arg7[%dma_wait3A_47] : memref<8192xf32, #tpu.memory_space<vmem>> -> memref<512xf32, #tpu.memory_space<vmem>>
      %dma_wait3A_49 = tpu.memref_slice %arg4[%add3A_28] : memref<262144xf32, #tpu.memory_space<hbm>> -> memref<512xf32, #tpu.memory_space<hbm>>
      %dma_wait3A_50 = tpu.memref_slice %arg4[%add3A_28] : memref<262144xf32, #tpu.memory_space<hbm>> -> memref<512xf32, #tpu.memory_space<hbm>>
      %dma_wait3A_51 = arith.constant 4608 : i32
      %dma_wait3A_52 = tpu.memref_slice %arg7[%dma_wait3A_51] : memref<8192xf32, #tpu.memory_space<vmem>> -> memref<512xf32, #tpu.memory_space<vmem>>
      tpu.wait_dma2 semaphore(%run_scoped3A : memref<!tpu.dma_semaphore, #tpu.memory_space<semaphore_mem>>) src(%dma_wait3A_52 : memref<512xf32, #tpu.memory_space<vmem>>) dst(%dma_wait3A_50 : memref<512xf32, #tpu.memory_space<hbm>>)
      tpu.yield
    }) : () -> ()
    %add3A_29 = arith.constant 163840 : i32
    %add3A_30 = arith.addi %add3A_29, %mul3A_2 : i32
    "tpu.region"() ({
      %run_scoped3A = tpu.sem_alloc : memref<!tpu.dma_semaphore, #tpu.memory_space<semaphore_mem>>
      %dma_start3A_41 = arith.constant 5120 : i32
      %dma_start3A_42 = tpu.memref_slice %arg7[%dma_start3A_41] : memref<8192xf32, #tpu.memory_space<vmem>> -> memref<512xf32, #tpu.memory_space<vmem>>
      %dma_start3A_43 = tpu.memref_slice %arg4[%add3A_30] : memref<262144xf32, #tpu.memory_space<hbm>> -> memref<512xf32, #tpu.memory_space<hbm>>
      %dma_start3A_44 = tpu.memref_slice %arg4[%add3A_30] : memref<262144xf32, #tpu.memory_space<hbm>> -> memref<512xf32, #tpu.memory_space<hbm>>
      %dma_start3A_45 = arith.constant 5120 : i32
      %dma_start3A_46 = tpu.memref_slice %arg7[%dma_start3A_45] : memref<8192xf32, #tpu.memory_space<vmem>> -> memref<512xf32, #tpu.memory_space<vmem>>
      tpu.enqueue_dma source(%dma_start3A_46 : memref<512xf32, #tpu.memory_space<vmem>>) target(%dma_start3A_44 : memref<512xf32, #tpu.memory_space<hbm>>) target_semaphore(%run_scoped3A : memref<!tpu.dma_semaphore, #tpu.memory_space<semaphore_mem>>)
      %dma_wait3A_47 = arith.constant 5120 : i32
      %dma_wait3A_48 = tpu.memref_slice %arg7[%dma_wait3A_47] : memref<8192xf32, #tpu.memory_space<vmem>> -> memref<512xf32, #tpu.memory_space<vmem>>
      %dma_wait3A_49 = tpu.memref_slice %arg4[%add3A_30] : memref<262144xf32, #tpu.memory_space<hbm>> -> memref<512xf32, #tpu.memory_space<hbm>>
      %dma_wait3A_50 = tpu.memref_slice %arg4[%add3A_30] : memref<262144xf32, #tpu.memory_space<hbm>> -> memref<512xf32, #tpu.memory_space<hbm>>
      %dma_wait3A_51 = arith.constant 5120 : i32
      %dma_wait3A_52 = tpu.memref_slice %arg7[%dma_wait3A_51] : memref<8192xf32, #tpu.memory_space<vmem>> -> memref<512xf32, #tpu.memory_space<vmem>>
      tpu.wait_dma2 semaphore(%run_scoped3A : memref<!tpu.dma_semaphore, #tpu.memory_space<semaphore_mem>>) src(%dma_wait3A_52 : memref<512xf32, #tpu.memory_space<vmem>>) dst(%dma_wait3A_50 : memref<512xf32, #tpu.memory_space<hbm>>)
      tpu.yield
    }) : () -> ()
    %add3A_31 = arith.constant 180224 : i32
    %add3A_32 = arith.addi %add3A_31, %mul3A_2 : i32
    "tpu.region"() ({
      %run_scoped3A = tpu.sem_alloc : memref<!tpu.dma_semaphore, #tpu.memory_space<semaphore_mem>>
      %dma_start3A_41 = arith.constant 5632 : i32
      %dma_start3A_42 = tpu.memref_slice %arg7[%dma_start3A_41] : memref<8192xf32, #tpu.memory_space<vmem>> -> memref<512xf32, #tpu.memory_space<vmem>>
      %dma_start3A_43 = tpu.memref_slice %arg4[%add3A_32] : memref<262144xf32, #tpu.memory_space<hbm>> -> memref<512xf32, #tpu.memory_space<hbm>>
      %dma_start3A_44 = tpu.memref_slice %arg4[%add3A_32] : memref<262144xf32, #tpu.memory_space<hbm>> -> memref<512xf32, #tpu.memory_space<hbm>>
      %dma_start3A_45 = arith.constant 5632 : i32
      %dma_start3A_46 = tpu.memref_slice %arg7[%dma_start3A_45] : memref<8192xf32, #tpu.memory_space<vmem>> -> memref<512xf32, #tpu.memory_space<vmem>>
      tpu.enqueue_dma source(%dma_start3A_46 : memref<512xf32, #tpu.memory_space<vmem>>) target(%dma_start3A_44 : memref<512xf32, #tpu.memory_space<hbm>>) target_semaphore(%run_scoped3A : memref<!tpu.dma_semaphore, #tpu.memory_space<semaphore_mem>>)
      %dma_wait3A_47 = arith.constant 5632 : i32
      %dma_wait3A_48 = tpu.memref_slice %arg7[%dma_wait3A_47] : memref<8192xf32, #tpu.memory_space<vmem>> -> memref<512xf32, #tpu.memory_space<vmem>>
      %dma_wait3A_49 = tpu.memref_slice %arg4[%add3A_32] : memref<262144xf32, #tpu.memory_space<hbm>> -> memref<512xf32, #tpu.memory_space<hbm>>
      %dma_wait3A_50 = tpu.memref_slice %arg4[%add3A_32] : memref<262144xf32, #tpu.memory_space<hbm>> -> memref<512xf32, #tpu.memory_space<hbm>>
      %dma_wait3A_51 = arith.constant 5632 : i32
      %dma_wait3A_52 = tpu.memref_slice %arg7[%dma_wait3A_51] : memref<8192xf32, #tpu.memory_space<vmem>> -> memref<512xf32, #tpu.memory_space<vmem>>
      tpu.wait_dma2 semaphore(%run_scoped3A : memref<!tpu.dma_semaphore, #tpu.memory_space<semaphore_mem>>) src(%dma_wait3A_52 : memref<512xf32, #tpu.memory_space<vmem>>) dst(%dma_wait3A_50 : memref<512xf32, #tpu.memory_space<hbm>>)
      tpu.yield
    }) : () -> ()
    %add3A_33 = arith.constant 196608 : i32
    %add3A_34 = arith.addi %add3A_33, %mul3A_2 : i32
    "tpu.region"() ({
      %run_scoped3A = tpu.sem_alloc : memref<!tpu.dma_semaphore, #tpu.memory_space<semaphore_mem>>
      %dma_start3A_41 = arith.constant 6144 : i32
      %dma_start3A_42 = tpu.memref_slice %arg7[%dma_start3A_41] : memref<8192xf32, #tpu.memory_space<vmem>> -> memref<512xf32, #tpu.memory_space<vmem>>
      %dma_start3A_43 = tpu.memref_slice %arg4[%add3A_34] : memref<262144xf32, #tpu.memory_space<hbm>> -> memref<512xf32, #tpu.memory_space<hbm>>
      %dma_start3A_44 = tpu.memref_slice %arg4[%add3A_34] : memref<262144xf32, #tpu.memory_space<hbm>> -> memref<512xf32, #tpu.memory_space<hbm>>
      %dma_start3A_45 = arith.constant 6144 : i32
      %dma_start3A_46 = tpu.memref_slice %arg7[%dma_start3A_45] : memref<8192xf32, #tpu.memory_space<vmem>> -> memref<512xf32, #tpu.memory_space<vmem>>
      tpu.enqueue_dma source(%dma_start3A_46 : memref<512xf32, #tpu.memory_space<vmem>>) target(%dma_start3A_44 : memref<512xf32, #tpu.memory_space<hbm>>) target_semaphore(%run_scoped3A : memref<!tpu.dma_semaphore, #tpu.memory_space<semaphore_mem>>)
      %dma_wait3A_47 = arith.constant 6144 : i32
      %dma_wait3A_48 = tpu.memref_slice %arg7[%dma_wait3A_47] : memref<8192xf32, #tpu.memory_space<vmem>> -> memref<512xf32, #tpu.memory_space<vmem>>
      %dma_wait3A_49 = tpu.memref_slice %arg4[%add3A_34] : memref<262144xf32, #tpu.memory_space<hbm>> -> memref<512xf32, #tpu.memory_space<hbm>>
      %dma_wait3A_50 = tpu.memref_slice %arg4[%add3A_34] : memref<262144xf32, #tpu.memory_space<hbm>> -> memref<512xf32, #tpu.memory_space<hbm>>
      %dma_wait3A_51 = arith.constant 6144 : i32
      %dma_wait3A_52 = tpu.memref_slice %arg7[%dma_wait3A_51] : memref<8192xf32, #tpu.memory_space<vmem>> -> memref<512xf32, #tpu.memory_space<vmem>>
      tpu.wait_dma2 semaphore(%run_scoped3A : memref<!tpu.dma_semaphore, #tpu.memory_space<semaphore_mem>>) src(%dma_wait3A_52 : memref<512xf32, #tpu.memory_space<vmem>>) dst(%dma_wait3A_50 : memref<512xf32, #tpu.memory_space<hbm>>)
      tpu.yield
    }) : () -> ()
    %add3A_35 = arith.constant 212992 : i32
    %add3A_36 = arith.addi %add3A_35, %mul3A_2 : i32
    "tpu.region"() ({
      %run_scoped3A = tpu.sem_alloc : memref<!tpu.dma_semaphore, #tpu.memory_space<semaphore_mem>>
      %dma_start3A_41 = arith.constant 6656 : i32
      %dma_start3A_42 = tpu.memref_slice %arg7[%dma_start3A_41] : memref<8192xf32, #tpu.memory_space<vmem>> -> memref<512xf32, #tpu.memory_space<vmem>>
      %dma_start3A_43 = tpu.memref_slice %arg4[%add3A_36] : memref<262144xf32, #tpu.memory_space<hbm>> -> memref<512xf32, #tpu.memory_space<hbm>>
      %dma_start3A_44 = tpu.memref_slice %arg4[%add3A_36] : memref<262144xf32, #tpu.memory_space<hbm>> -> memref<512xf32, #tpu.memory_space<hbm>>
      %dma_start3A_45 = arith.constant 6656 : i32
      %dma_start3A_46 = tpu.memref_slice %arg7[%dma_start3A_45] : memref<8192xf32, #tpu.memory_space<vmem>> -> memref<512xf32, #tpu.memory_space<vmem>>
      tpu.enqueue_dma source(%dma_start3A_46 : memref<512xf32, #tpu.memory_space<vmem>>) target(%dma_start3A_44 : memref<512xf32, #tpu.memory_space<hbm>>) target_semaphore(%run_scoped3A : memref<!tpu.dma_semaphore, #tpu.memory_space<semaphore_mem>>)
      %dma_wait3A_47 = arith.constant 6656 : i32
      %dma_wait3A_48 = tpu.memref_slice %arg7[%dma_wait3A_47] : memref<8192xf32, #tpu.memory_space<vmem>> -> memref<512xf32, #tpu.memory_space<vmem>>
      %dma_wait3A_49 = tpu.memref_slice %arg4[%add3A_36] : memref<262144xf32, #tpu.memory_space<hbm>> -> memref<512xf32, #tpu.memory_space<hbm>>
      %dma_wait3A_50 = tpu.memref_slice %arg4[%add3A_36] : memref<262144xf32, #tpu.memory_space<hbm>> -> memref<512xf32, #tpu.memory_space<hbm>>
      %dma_wait3A_51 = arith.constant 6656 : i32
      %dma_wait3A_52 = tpu.memref_slice %arg7[%dma_wait3A_51] : memref<8192xf32, #tpu.memory_space<vmem>> -> memref<512xf32, #tpu.memory_space<vmem>>
      tpu.wait_dma2 semaphore(%run_scoped3A : memref<!tpu.dma_semaphore, #tpu.memory_space<semaphore_mem>>) src(%dma_wait3A_52 : memref<512xf32, #tpu.memory_space<vmem>>) dst(%dma_wait3A_50 : memref<512xf32, #tpu.memory_space<hbm>>)
      tpu.yield
    }) : () -> ()
    %add3A_37 = arith.constant 229376 : i32
    %add3A_38 = arith.addi %add3A_37, %mul3A_2 : i32
    "tpu.region"() ({
      %run_scoped3A = tpu.sem_alloc : memref<!tpu.dma_semaphore, #tpu.memory_space<semaphore_mem>>
      %dma_start3A_41 = arith.constant 7168 : i32
      %dma_start3A_42 = tpu.memref_slice %arg7[%dma_start3A_41] : memref<8192xf32, #tpu.memory_space<vmem>> -> memref<512xf32, #tpu.memory_space<vmem>>
      %dma_start3A_43 = tpu.memref_slice %arg4[%add3A_38] : memref<262144xf32, #tpu.memory_space<hbm>> -> memref<512xf32, #tpu.memory_space<hbm>>
      %dma_start3A_44 = tpu.memref_slice %arg4[%add3A_38] : memref<262144xf32, #tpu.memory_space<hbm>> -> memref<512xf32, #tpu.memory_space<hbm>>
      %dma_start3A_45 = arith.constant 7168 : i32
      %dma_start3A_46 = tpu.memref_slice %arg7[%dma_start3A_45] : memref<8192xf32, #tpu.memory_space<vmem>> -> memref<512xf32, #tpu.memory_space<vmem>>
      tpu.enqueue_dma source(%dma_start3A_46 : memref<512xf32, #tpu.memory_space<vmem>>) target(%dma_start3A_44 : memref<512xf32, #tpu.memory_space<hbm>>) target_semaphore(%run_scoped3A : memref<!tpu.dma_semaphore, #tpu.memory_space<semaphore_mem>>)
      %dma_wait3A_47 = arith.constant 7168 : i32
      %dma_wait3A_48 = tpu.memref_slice %arg7[%dma_wait3A_47] : memref<8192xf32, #tpu.memory_space<vmem>> -> memref<512xf32, #tpu.memory_space<vmem>>
      %dma_wait3A_49 = tpu.memref_slice %arg4[%add3A_38] : memref<262144xf32, #tpu.memory_space<hbm>> -> memref<512xf32, #tpu.memory_space<hbm>>
      %dma_wait3A_50 = tpu.memref_slice %arg4[%add3A_38] : memref<262144xf32, #tpu.memory_space<hbm>> -> memref<512xf32, #tpu.memory_space<hbm>>
      %dma_wait3A_51 = arith.constant 7168 : i32
      %dma_wait3A_52 = tpu.memref_slice %arg7[%dma_wait3A_51] : memref<8192xf32, #tpu.memory_space<vmem>> -> memref<512xf32, #tpu.memory_space<vmem>>
      tpu.wait_dma2 semaphore(%run_scoped3A : memref<!tpu.dma_semaphore, #tpu.memory_space<semaphore_mem>>) src(%dma_wait3A_52 : memref<512xf32, #tpu.memory_space<vmem>>) dst(%dma_wait3A_50 : memref<512xf32, #tpu.memory_space<hbm>>)
      tpu.yield
    }) : () -> ()
    %add3A_39 = arith.constant 245760 : i32
    %add3A_40 = arith.addi %add3A_39, %mul3A_2 : i32
    "tpu.region"() ({
      %run_scoped3A = tpu.sem_alloc : memref<!tpu.dma_semaphore, #tpu.memory_space<semaphore_mem>>
      %dma_start3A_41 = arith.constant 7680 : i32
      %dma_start3A_42 = tpu.memref_slice %arg7[%dma_start3A_41] : memref<8192xf32, #tpu.memory_space<vmem>> -> memref<512xf32, #tpu.memory_space<vmem>>
      %dma_start3A_43 = tpu.memref_slice %arg4[%add3A_40] : memref<262144xf32, #tpu.memory_space<hbm>> -> memref<512xf32, #tpu.memory_space<hbm>>
      %dma_start3A_44 = tpu.memref_slice %arg4[%add3A_40] : memref<262144xf32, #tpu.memory_space<hbm>> -> memref<512xf32, #tpu.memory_space<hbm>>
      %dma_start3A_45 = arith.constant 7680 : i32
      %dma_start3A_46 = tpu.memref_slice %arg7[%dma_start3A_45] : memref<8192xf32, #tpu.memory_space<vmem>> -> memref<512xf32, #tpu.memory_space<vmem>>
      tpu.enqueue_dma source(%dma_start3A_46 : memref<512xf32, #tpu.memory_space<vmem>>) target(%dma_start3A_44 : memref<512xf32, #tpu.memory_space<hbm>>) target_semaphore(%run_scoped3A : memref<!tpu.dma_semaphore, #tpu.memory_space<semaphore_mem>>)
      %dma_wait3A_47 = arith.constant 7680 : i32
      %dma_wait3A_48 = tpu.memref_slice %arg7[%dma_wait3A_47] : memref<8192xf32, #tpu.memory_space<vmem>> -> memref<512xf32, #tpu.memory_space<vmem>>
      %dma_wait3A_49 = tpu.memref_slice %arg4[%add3A_40] : memref<262144xf32, #tpu.memory_space<hbm>> -> memref<512xf32, #tpu.memory_space<hbm>>
      %dma_wait3A_50 = tpu.memref_slice %arg4[%add3A_40] : memref<262144xf32, #tpu.memory_space<hbm>> -> memref<512xf32, #tpu.memory_space<hbm>>
      %dma_wait3A_51 = arith.constant 7680 : i32
      %dma_wait3A_52 = tpu.memref_slice %arg7[%dma_wait3A_51] : memref<8192xf32, #tpu.memory_space<vmem>> -> memref<512xf32, #tpu.memory_space<vmem>>
      tpu.wait_dma2 semaphore(%run_scoped3A : memref<!tpu.dma_semaphore, #tpu.memory_space<semaphore_mem>>) src(%dma_wait3A_52 : memref<512xf32, #tpu.memory_space<vmem>>) dst(%dma_wait3A_50 : memref<512xf32, #tpu.memory_space<hbm>>)
      tpu.yield
    }) : () -> ()
    return
  }
}

module attributes {stable_mosaic.version = 14 : i64} {
  func.func @_detile_body(%arg0: i32, %arg1: memref<1x16x76928xf32, #tpu.memory_space<vmem>>, %arg2: memref<1230848xf32, #tpu.memory_space<vmem>>) attributes {dimension_semantics = [#tpu.dimension_semantics<arbitrary>], iteration_bounds = array<i64: 13>, scalar_prefetch = 0 : i64, scratch_operands = 0 : i64, tpu.core_type = #tpu.core_type<tc>, window_params = [{transform_indices = @transform_0, window_bounds = array<i64: 1, 16, 76928>}, {transform_indices = @transform_1, window_bounds = array<i64: 1230848>}]} {
    %get3A = arith.constant 0 : index
    %get3A_0 = arith.constant 0 : index
    %get3A_1 = arith.constant 0 : index
    %get3A_2 = vector.load %arg1[%get3A, %get3A_0, %get3A_1] : memref<1x16x76928xf32, #tpu.memory_space<vmem>>, vector<1x1x76928xf32>
    %get3A_3 = vector.shape_cast %get3A_2 : vector<1x1x76928xf32> to vector<76928xf32>
    %swap3A = arith.constant 0 : index
    %swap3A_4 = vector.load %arg2[%swap3A] : memref<1230848xf32, #tpu.memory_space<vmem>>, vector<76928xf32>
    tpu.vector_store %arg2[%swap3A], %get3A_3 {strides = array<i32>} : memref<1230848xf32, #tpu.memory_space<vmem>>, vector<76928xf32>,
    %get3A_5 = arith.constant 0 : index
    %get3A_6 = arith.constant 1 : index
    %get3A_7 = arith.constant 0 : index
    %get3A_8 = vector.load %arg1[%get3A_5, %get3A_6, %get3A_7] : memref<1x16x76928xf32, #tpu.memory_space<vmem>>, vector<1x1x76928xf32>
    %get3A_9 = vector.shape_cast %get3A_8 : vector<1x1x76928xf32> to vector<76928xf32>
    %swap3A_10 = arith.constant 76928 : index
    %swap3A_11 = vector.load %arg2[%swap3A_10] : memref<1230848xf32, #tpu.memory_space<vmem>>, vector<76928xf32>
    tpu.vector_store %arg2[%swap3A_10], %get3A_9 {strides = array<i32>} : memref<1230848xf32, #tpu.memory_space<vmem>>, vector<76928xf32>,
    %get3A_12 = arith.constant 0 : index
    %get3A_13 = arith.constant 2 : index
    %get3A_14 = arith.constant 0 : index
    %get3A_15 = vector.load %arg1[%get3A_12, %get3A_13, %get3A_14] : memref<1x16x76928xf32, #tpu.memory_space<vmem>>, vector<1x1x76928xf32>
    %get3A_16 = vector.shape_cast %get3A_15 : vector<1x1x76928xf32> to vector<76928xf32>
    %swap3A_17 = arith.constant 153856 : index
    %swap3A_18 = vector.load %arg2[%swap3A_17] : memref<1230848xf32, #tpu.memory_space<vmem>>, vector<76928xf32>
    tpu.vector_store %arg2[%swap3A_17], %get3A_16 {strides = array<i32>} : memref<1230848xf32, #tpu.memory_space<vmem>>, vector<76928xf32>,
    %get3A_19 = arith.constant 0 : index
    %get3A_20 = arith.constant 3 : index
    %get3A_21 = arith.constant 0 : index
    %get3A_22 = vector.load %arg1[%get3A_19, %get3A_20, %get3A_21] : memref<1x16x76928xf32, #tpu.memory_space<vmem>>, vector<1x1x76928xf32>
    %get3A_23 = vector.shape_cast %get3A_22 : vector<1x1x76928xf32> to vector<76928xf32>
    %swap3A_24 = arith.constant 230784 : index
    %swap3A_25 = vector.load %arg2[%swap3A_24] : memref<1230848xf32, #tpu.memory_space<vmem>>, vector<76928xf32>
    tpu.vector_store %arg2[%swap3A_24], %get3A_23 {strides = array<i32>} : memref<1230848xf32, #tpu.memory_space<vmem>>, vector<76928xf32>,
    %get3A_26 = arith.constant 0 : index
    %get3A_27 = arith.constant 4 : index
    %get3A_28 = arith.constant 0 : index
    %get3A_29 = vector.load %arg1[%get3A_26, %get3A_27, %get3A_28] : memref<1x16x76928xf32, #tpu.memory_space<vmem>>, vector<1x1x76928xf32>
    %get3A_30 = vector.shape_cast %get3A_29 : vector<1x1x76928xf32> to vector<76928xf32>
    %swap3A_31 = arith.constant 307712 : index
    %swap3A_32 = vector.load %arg2[%swap3A_31] : memref<1230848xf32, #tpu.memory_space<vmem>>, vector<76928xf32>
    tpu.vector_store %arg2[%swap3A_31], %get3A_30 {strides = array<i32>} : memref<1230848xf32, #tpu.memory_space<vmem>>, vector<76928xf32>,
    %get3A_33 = arith.constant 0 : index
    %get3A_34 = arith.constant 5 : index
    %get3A_35 = arith.constant 0 : index
    %get3A_36 = vector.load %arg1[%get3A_33, %get3A_34, %get3A_35] : memref<1x16x76928xf32, #tpu.memory_space<vmem>>, vector<1x1x76928xf32>
    %get3A_37 = vector.shape_cast %get3A_36 : vector<1x1x76928xf32> to vector<76928xf32>
    %swap3A_38 = arith.constant 384640 : index
    %swap3A_39 = vector.load %arg2[%swap3A_38] : memref<1230848xf32, #tpu.memory_space<vmem>>, vector<76928xf32>
    tpu.vector_store %arg2[%swap3A_38], %get3A_37 {strides = array<i32>} : memref<1230848xf32, #tpu.memory_space<vmem>>, vector<76928xf32>,
    %get3A_40 = arith.constant 0 : index
    %get3A_41 = arith.constant 6 : index
    %get3A_42 = arith.constant 0 : index
    %get3A_43 = vector.load %arg1[%get3A_40, %get3A_41, %get3A_42] : memref<1x16x76928xf32, #tpu.memory_space<vmem>>, vector<1x1x76928xf32>
    %get3A_44 = vector.shape_cast %get3A_43 : vector<1x1x76928xf32> to vector<76928xf32>
    %swap3A_45 = arith.constant 461568 : index
    %swap3A_46 = vector.load %arg2[%swap3A_45] : memref<1230848xf32, #tpu.memory_space<vmem>>, vector<76928xf32>
    tpu.vector_store %arg2[%swap3A_45], %get3A_44 {strides = array<i32>} : memref<1230848xf32, #tpu.memory_space<vmem>>, vector<76928xf32>,
    %get3A_47 = arith.constant 0 : index
    %get3A_48 = arith.constant 7 : index
    %get3A_49 = arith.constant 0 : index
    %get3A_50 = vector.load %arg1[%get3A_47, %get3A_48, %get3A_49] : memref<1x16x76928xf32, #tpu.memory_space<vmem>>, vector<1x1x76928xf32>
    %get3A_51 = vector.shape_cast %get3A_50 : vector<1x1x76928xf32> to vector<76928xf32>
    %swap3A_52 = arith.constant 538496 : index
    %swap3A_53 = vector.load %arg2[%swap3A_52] : memref<1230848xf32, #tpu.memory_space<vmem>>, vector<76928xf32>
    tpu.vector_store %arg2[%swap3A_52], %get3A_51 {strides = array<i32>} : memref<1230848xf32, #tpu.memory_space<vmem>>, vector<76928xf32>,
    %get3A_54 = arith.constant 0 : index
    %get3A_55 = arith.constant 8 : index
    %get3A_56 = arith.constant 0 : index
    %get3A_57 = vector.load %arg1[%get3A_54, %get3A_55, %get3A_56] : memref<1x16x76928xf32, #tpu.memory_space<vmem>>, vector<1x1x76928xf32>
    %get3A_58 = vector.shape_cast %get3A_57 : vector<1x1x76928xf32> to vector<76928xf32>
    %swap3A_59 = arith.constant 615424 : index
    %swap3A_60 = vector.load %arg2[%swap3A_59] : memref<1230848xf32, #tpu.memory_space<vmem>>, vector<76928xf32>
    tpu.vector_store %arg2[%swap3A_59], %get3A_58 {strides = array<i32>} : memref<1230848xf32, #tpu.memory_space<vmem>>, vector<76928xf32>,
    %get3A_61 = arith.constant 0 : index
    %get3A_62 = arith.constant 9 : index
    %get3A_63 = arith.constant 0 : index
    %get3A_64 = vector.load %arg1[%get3A_61, %get3A_62, %get3A_63] : memref<1x16x76928xf32, #tpu.memory_space<vmem>>, vector<1x1x76928xf32>
    %get3A_65 = vector.shape_cast %get3A_64 : vector<1x1x76928xf32> to vector<76928xf32>
    %swap3A_66 = arith.constant 692352 : index
    %swap3A_67 = vector.load %arg2[%swap3A_66] : memref<1230848xf32, #tpu.memory_space<vmem>>, vector<76928xf32>
    tpu.vector_store %arg2[%swap3A_66], %get3A_65 {strides = array<i32>} : memref<1230848xf32, #tpu.memory_space<vmem>>, vector<76928xf32>,
    %get3A_68 = arith.constant 0 : index
    %get3A_69 = arith.constant 10 : index
    %get3A_70 = arith.constant 0 : index
    %get3A_71 = vector.load %arg1[%get3A_68, %get3A_69, %get3A_70] : memref<1x16x76928xf32, #tpu.memory_space<vmem>>, vector<1x1x76928xf32>
    %get3A_72 = vector.shape_cast %get3A_71 : vector<1x1x76928xf32> to vector<76928xf32>
    %swap3A_73 = arith.constant 769280 : index
    %swap3A_74 = vector.load %arg2[%swap3A_73] : memref<1230848xf32, #tpu.memory_space<vmem>>, vector<76928xf32>
    tpu.vector_store %arg2[%swap3A_73], %get3A_72 {strides = array<i32>} : memref<1230848xf32, #tpu.memory_space<vmem>>, vector<76928xf32>,
    %get3A_75 = arith.constant 0 : index
    %get3A_76 = arith.constant 11 : index
    %get3A_77 = arith.constant 0 : index
    %get3A_78 = vector.load %arg1[%get3A_75, %get3A_76, %get3A_77] : memref<1x16x76928xf32, #tpu.memory_space<vmem>>, vector<1x1x76928xf32>
    %get3A_79 = vector.shape_cast %get3A_78 : vector<1x1x76928xf32> to vector<76928xf32>
    %swap3A_80 = arith.constant 846208 : index
    %swap3A_81 = vector.load %arg2[%swap3A_80] : memref<1230848xf32, #tpu.memory_space<vmem>>, vector<76928xf32>
    tpu.vector_store %arg2[%swap3A_80], %get3A_79 {strides = array<i32>} : memref<1230848xf32, #tpu.memory_space<vmem>>, vector<76928xf32>,
    %get3A_82 = arith.constant 0 : index
    %get3A_83 = arith.constant 12 : index
    %get3A_84 = arith.constant 0 : index
    %get3A_85 = vector.load %arg1[%get3A_82, %get3A_83, %get3A_84] : memref<1x16x76928xf32, #tpu.memory_space<vmem>>, vector<1x1x76928xf32>
    %get3A_86 = vector.shape_cast %get3A_85 : vector<1x1x76928xf32> to vector<76928xf32>
    %swap3A_87 = arith.constant 923136 : index
    %swap3A_88 = vector.load %arg2[%swap3A_87] : memref<1230848xf32, #tpu.memory_space<vmem>>, vector<76928xf32>
    tpu.vector_store %arg2[%swap3A_87], %get3A_86 {strides = array<i32>} : memref<1230848xf32, #tpu.memory_space<vmem>>, vector<76928xf32>,
    %get3A_89 = arith.constant 0 : index
    %get3A_90 = arith.constant 13 : index
    %get3A_91 = arith.constant 0 : index
    %get3A_92 = vector.load %arg1[%get3A_89, %get3A_90, %get3A_91] : memref<1x16x76928xf32, #tpu.memory_space<vmem>>, vector<1x1x76928xf32>
    %get3A_93 = vector.shape_cast %get3A_92 : vector<1x1x76928xf32> to vector<76928xf32>
    %swap3A_94 = arith.constant 1000064 : index
    %swap3A_95 = vector.load %arg2[%swap3A_94] : memref<1230848xf32, #tpu.memory_space<vmem>>, vector<76928xf32>
    tpu.vector_store %arg2[%swap3A_94], %get3A_93 {strides = array<i32>} : memref<1230848xf32, #tpu.memory_space<vmem>>, vector<76928xf32>,
    %get3A_96 = arith.constant 0 : index
    %get3A_97 = arith.constant 14 : index
    %get3A_98 = arith.constant 0 : index
    %get3A_99 = vector.load %arg1[%get3A_96, %get3A_97, %get3A_98] : memref<1x16x76928xf32, #tpu.memory_space<vmem>>, vector<1x1x76928xf32>
    %get3A_100 = vector.shape_cast %get3A_99 : vector<1x1x76928xf32> to vector<76928xf32>
    %swap3A_101 = arith.constant 1076992 : index
    %swap3A_102 = vector.load %arg2[%swap3A_101] : memref<1230848xf32, #tpu.memory_space<vmem>>, vector<76928xf32>
    tpu.vector_store %arg2[%swap3A_101], %get3A_100 {strides = array<i32>} : memref<1230848xf32, #tpu.memory_space<vmem>>, vector<76928xf32>,
    %get3A_103 = arith.constant 0 : index
    %get3A_104 = arith.constant 15 : index
    %get3A_105 = arith.constant 0 : index
    %get3A_106 = vector.load %arg1[%get3A_103, %get3A_104, %get3A_105] : memref<1x16x76928xf32, #tpu.memory_space<vmem>>, vector<1x1x76928xf32>
    %get3A_107 = vector.shape_cast %get3A_106 : vector<1x1x76928xf32> to vector<76928xf32>
    %swap3A_108 = arith.constant 1153920 : index
    %swap3A_109 = vector.load %arg2[%swap3A_108] : memref<1230848xf32, #tpu.memory_space<vmem>>, vector<76928xf32>
    tpu.vector_store %arg2[%swap3A_108], %get3A_107 {strides = array<i32>} : memref<1230848xf32, #tpu.memory_space<vmem>>, vector<76928xf32>,
    return
  }
  func.func @transform_0(%arg0: i32) -> (i32, i32, i32) {
    %c0_i32 = arith.constant 0 : i32
    %c0_i32_0 = arith.constant 0 : i32
    %c0_i32_1 = arith.constant 0 : i32
    return %c0_i32, %c0_i32_0, %arg0 : i32, i32, i32
  }
  func.func @transform_1(%arg0: i32) -> i32 {
    %c0_i32 = arith.constant 0 : i32
    return %arg0 : i32
  }
}

</mosaic_0001>

<sc_bundles>
// kernel: kernel.4.cloned.1.call-start
scs
__scs_entry_jumppad:
0x0: {  	(pc) =	sbr.rel $0x88, $3  }
0x1: {  	(tag) =	ssettag $0x0;
	lr =	simm.s32 $0x1  }
0x2: {  	[smem:$0x3F9F] =	sst lr;
	_ =	strace $0xD0000000  }
0x3: {  	_ = 	snop  }
0x4: {  	_ = 	snop  }
0x5: {  	_ = 	snop  }
0x6: {  	_ = 	snop  }
0x7: {  	_ = 	snop  }
__scs_overlays_trampoline_lowered:
0x8: {  	[smem:$0x3FAE] =	sst s0  }
0x9: {  	[smem:$0x3FAF] =	sst s1  }
0xa: {  	[smem:$0x3FB0] =	sst s2  }
0xb: {  	[smem:$0x3FB1] =	sst s3  }
0xc: {  	[smem:$0x3FB2] =	sst s4  }
0xd: {  	[smem:$0x3FB3] =	sst s5  }
0xe: {  	[smem:$0x3FB4] =	sst s6  }
0xf: {  	[smem:$0x3FB5] =	sst s7  }
0x10: {  	[smem:$0x3FB6] =	sst s8  }
0x11: {  	[smem:$0x3FB7] =	sst s9;
	s0 =	simm.s32 @!p0 $0x0  }
0x12: {  	s1 =	sld [smem:$0x3F9D];
	s0 =	simm.s32 @p0 $0x1  }
0x13: {  	[smem:$0x3FB8] =	sst s0;
	s0 =	simm.s32 @!p1 $0x0  }
0x14: {  	s2 =	sld [smem:$0x3F9C];
	s0 =	simm.s32 @p1 $0x1  }
0x15: {  	[smem:$0x3FB9] =	sst s0;
	s0 =	simm.s32 @!p2 $0x0  }
0x16: {  	s3 =	sld [smem:$0x3FDB];
	s0 =	simm.s32 @p2 $0x1  }
0x17: {  	s4 =	simm.s32 $0x1BF5;
	[smem:$0x3FBB] =	sst s0  }
0x18: {  	s0 =	sld [smem:$0x3F9E];
	_ =	swait.ge [sflag:s4], $0x0  }
0x19: {  	s7 =	sld [smem:$0x3F9F]  }
0x1a: {  	s8 =	sadd.s32 $0xFFFFE003, lr  }
0x1b: {  	s9 =	sadd.s32 $0xFFFFFEF7, lr;
	s5 =	simm.s32 $0xFFFFFFFF;
	p2 =	slt.u32 s8, $0xFFFFF086  }
0x1c: {  	p1 =	slt.u32 s9, $0xF7A;
	s5 =	simm.s32 @!p2 $0x0  }
0x1d: {  	s5 =	simm.s32 @p1 $0x1;
	p0 =	seq.s32 s7, s2  }
0x1e: {  	s7 =	smul.u32 @!p0 $0xF7A, s2;
	p2 =	seq.s32 @!p0 s5, $0x0  }
0x1f: {  	s9 =	smul.u32 $0xF7A, s1;
	s8 =	simm.s32 @!p0 $0x1BF5;
	p2 =	por !p2, p0  }
0x20: {  	[sflag:s8] =	ssyncset.s32 @!p0 $0xFFFFF086;
	s6 =	sadd.s32 @!p0 s3, s7;
	s7 =	simm.s32 @!p0 $0x108  }
0x21: {  	s3 =	sadd.s32 s3, s9;
	s6 =	sadd.s32 @!p0 $0x88, s6;
	s7 =	simm.s32 @p2 $0x1082  }
0x22: {  	[simem:s7], [sflag:s8] =	dma.local @!p0 [hbm:s6], $0xF7A  }
0x23: {  	s9 =	sor.u32 $0xD0000000, s2;
	s6 =	simm.s32 $0x108;
	_ =	swait.ge @!p0 [sflag:s8], $0x0  }
0x24: {  	s3 =	sadd.s32 $0x88, s3;
	s6 =	simm.s32 @!p1 $0x1082;
	[sflag:s4] =	ssyncset.s32 $0xFFFFF086  }
0x25: {  	[simem:s6], [sflag:s4] =	dma.local [hbm:s3], $0xF7A  }
0x26: {  	[smem:$0x3F9F] =	sst s1;
	(tag) =	ssettag s2;
	_ =	strace s9  }
0x27: {  	s1 =	sld [smem:$0x3FAF]  }
0x28: {  	s2 =	sld [smem:$0x3FB0]  }
0x29: {  	s4 =	sld [smem:$0x3FB2]  }
0x2a: {  	p0 =	seq.s32 s5, $0x0;
	s5 =	sld [smem:$0x3FB3]  }
0x2b: {  	s6 =	sld [smem:$0x3FB4]  }
0x2c: {  	s7 =	sld [smem:$0x3FB5]  }
0x2d: {  	s3 =	simm.s32 $0x108;
	s8 =	sld [smem:$0x3FB6]  }
0x2e: {  	s3 =	simm.s32 @!p0 $0x1082;
	s9 =	sld [smem:$0x3FB7]  }
0x2f: {  	lr =	sadd.s32 s0, s3;
	s0 =	sld [smem:$0x3FAE]  }
0x30: {  	s3 =	sld [smem:$0x3FB1]  }
0x31: {  	[smem:$0x3FBA] =	sst s10  }
0x32: {  	s10 =	sld [smem:$0x3FB8];
	_ =	sdelay $0x3  }
0x33: {  	p0 =	seq.s32 s10, $0x1;
	s10 =	sld [smem:$0x3FBA];
	_ =	sdelay $0x3  }
0x34: {  	[smem:$0x3FBA] =	sst s10  }
0x35: {  	s10 =	sld [smem:$0x3FB9];
	_ =	sdelay $0x3  }
0x36: {  	p1 =	seq.s32 s10, $0x1;
	s10 =	sld [smem:$0x3FBA];
	_ =	sdelay $0x3  }
0x37: {  	[smem:$0x3FBA] =	sst s10  }
0x38: {  	s10 =	sld [smem:$0x3FBB]  }
0x39: {  	_ = 	snop;
	(pc) =	sbr.ind lr, $3  }
0x3a: {  	_ = 	snop  }
0x3b: {  	_ = 	snop  }
0x3c: {  	p2 =	seq.s32 s10, $0x1;
	s10 =	sld [smem:$0x3FBA]  }
0x3d: {  	_ =	shalt  }
0x3e: {  	_ =	shalt  }
0x3f: {  	_ =	shalt  }
0x40: {  	_ =	shalt  }
0x41: {  	_ =	shalt  }
0x42: {  	_ =	shalt  }
0x43: {  	_ =	shalt  }
0x44: {  	_ =	shalt  }
0x45: {  	_ =	shalt  }
0x46: {  	_ =	shalt  }
0x47: {  	_ =	shalt  }
0x48: {  	_ =	shalt  }
0x49: {  	_ =	shalt  }
0x4a: {  	_ =	shalt  }
0x4b: {  	_ =	shalt  }
0x4c: {  	_ =	shalt  }
0x4d: {  	_ =	shalt  }
0x4e: {  	_ =	shalt  }
0x4f: {  	_ =	shalt  }
0x50: {  	_ =	shalt  }
0x51: {  	_ =	shalt  }
0x52: {  	_ =	shalt  }
0x53: {  	_ =	shalt  }
0x54: {  	_ =	shalt  }
0x55: {  	_ =	shalt  }
0x56: {  	_ =	shalt  }
0x57: {  	_ =	shalt  }
0x58: {  	_ =	shalt  }
0x59: {  	_ =	shalt  }
0x5a: {  	_ =	shalt  }
0x5b: {  	_ =	shalt  }
0x5c: {  	_ =	shalt  }
0x5d: {  	_ =	shalt  }
0x5e: {  	_ =	shalt  }
0x5f: {  	_ =	shalt  }
0x60: {  	_ =	shalt  }
0x61: {  	_ =	shalt  }
0x62: {  	_ =	shalt  }
0x63: {  	_ =	shalt  }
0x64: {  	_ =	shalt  }
0x65: {  	_ =	shalt  }
0x66: {  	_ =	shalt  }
0x67: {  	_ =	shalt  }
0x68: {  	_ =	shalt  }
0x69: {  	_ =	shalt  }
0x6a: {  	_ =	shalt  }
0x6b: {  	_ =	shalt  }
0x6c: {  	_ =	shalt  }
0x6d: {  	_ =	shalt  }
0x6e: {  	_ =	shalt  }
0x6f: {  	_ =	shalt  }
0x70: {  	_ =	shalt  }
0x71: {  	_ =	shalt  }
0x72: {  	_ =	shalt  }
0x73: {  	_ =	shalt  }
0x74: {  	_ =	shalt  }
0x75: {  	_ =	shalt  }
0x76: {  	_ =	shalt  }
0x77: {  	_ =	shalt  }
0x78: {  	_ =	shalt  }
0x79: {  	_ =	shalt  }
0x7a: {  	_ =	shalt  }
0x7b: {  	_ =	shalt  }
0x7c: {  	_ =	shalt  }
0x7d: {  	_ =	shalt  }
0x7e: {  	_ =	shalt  }
0x7f: {  	_ =	shalt  }
0x80: {  	_ =	shalt  }
0x81: {  	_ =	shalt  }
0x82: {  	_ =	shalt  }
0x83: {  	_ =	shalt  }
0x84: {  	_ =	shalt  }
0x85: {  	_ =	shalt  }
0x86: {  	_ =	shalt  }
0x87: {  	_ =	shalt  }
.Lfunc_end0:
.L_simem_size_0:
called_computation_lowered:
.L_overlay_start_0:
0x88: {  	s2 =	sld [smem:$0x3FD9]  }
0x89: {  	s3 =	sld [smem:$0x3FFE];
	_ =	sdelay $0x1  }
0x8a: {  	s1 =	srdreg.scid  }
0x8b: {  	s0 =	sand.u32 $0x1, s1  }
0x8c: {  	s17 =	sshll.u32 s0, $0xA;
	s2 =	sadd.s32 s3, s2  }
0x8d: {  	s2 =	sadd.s32 s2, s17  }
0x8e: {  	[smem:$0x3FC6] =	sst s2  }
0x8f: {  	_ = 	snop  }
0x90: {  	s2 =	sld [smem:$0x3FC9];
	(tm) =	ssettm $0x1  }
0x91: {  	s18 =	sld [smem:$0x3FFB];
	_ =	sdelay $0x3  }
0x92: {  	_ =	strace s18  }
0x93: {  	s3 =	sld [smem:$0x3FFC];
	_ =	sdelay $0x3  }
0x94: {  	_ =	strace s3  }
0x95: {  	s3 =	sld [smem:$0x3FFD];
	_ =	sdelay $0x3  }
0x96: {  	_ =	strace s3  }
0x97: {  	_ =	strace $0x8FFFFFFF  }
0x98: {  	s19 =	sld [smem:$0x3FDB];
	_ =	sdelay $0x1  }
0x99: {  	s4 =	simm.s32 $_scs_section_size  }
0x9a: {  	s5 =	simm.s32 $_size__tile_overlayer_lowered;
	s6 =	simm.s32 $_tile_overlayer_lowered  }
0x9b: {  	s22 =	simm.s32 $0x1BFF;
	s21 =	sshll.u32 s6, $0x1;
	s3 =	sadd.s32 s4, s19  }
0x9c: {  	s7 =	simm.s32 $0x0;
	s20 =	sshll.u32 s5, $0x1;
	s5 =	sadd.s32 s21, s3  }
0x9d: {  	[timem:s7], [sflag:s22] =	dma.local [hbm:s5], s20  }
0x9e: {  	_ =	swait.ge [sflag:s22], s20  }
0x9f: {  	s4 =	ssub.s32 $0x0, s20;
	[sflag:s22] =	ssyncset.done $0x0  }
0xa0: {  	[sflag:s22] =	ssyncadd.s32 s4;
	_ =	sdelay $0x1  }
0xa1: {  	s23 =	simm.s32 $0x1B8B  }
0xa2: {  	_ =	swait.ge [sflag:s23], $0x1  }
0xa3: {  	[sflag:s23] =	ssyncset.done $0x0  }
0xa4: {  	s25 =	simm.s32 $0x1B8E;
	s24 =	sld [smem:$0x3FFE];
	[sflag:s23] =	ssyncadd.s32 $0xFFFFFFFF  }
0xa5: {  	s26 =	simm.s32 $execute0_lowered;
	[smem:$0x3FD2] =	sst s25  }
0xa6: {  	s5 =	sshll.u32 s26, $0x1;
	_ =	strace $0x80000046;
	[dreg:$0x1] =	wrdreg $0xFFFFFFFF  }
0xa7: {  	s28 =	simm.s32 $_size_execute0_lowered;
	s3 =	sadd.s32 s3, s5;
	[dreg:$0x0] =	wrdreg $0x0  }
0xa8: {  	s5 =	sshll.u32 s28, $0x1;
	[dreg:$0x2] =	wrdreg s3  }
0xa9: {  	[dreg:$0x3] =	wrdreg s5  }
0xaa: {  	[dreg:$0x4] =	wrdreg $0xC0  }
0xab: {  	_ =	task [dreg:s7], $0x5FFFF  }
0xac: {  	[dreg:$0x1] =	wrdreg $0xFFFFFFFF  }
0xad: {  	[dreg:$0x0] =	wrdreg $0x60  }
0xae: {  	[dreg:$0x2] =	wrdreg s24  }
0xaf: {  	[dreg:$0x3] =	wrdreg s2  }
0xb0: {  	[dreg:$0x4] =	wrdreg $0x9  }
0xb1: {  	_ =	task.clear_ibuf [dreg:s7], $0x5FFFF;
	_ =	strace $0x90000046  }
0xb2: {  	s29 =	simm.s32 $0x9;
	_ =	strace $0x80000048  }
0xb3: {  	_ =	swait.ge [sflag:s29], $0x1  }
0xb4: {  	[sflag:s29] =	ssyncadd.s32 $0xFFFFFFFF  }
0xb5: {  	_ =	strace $0x90000048  }
0xb6: {  	_ =	sfence  }
0xb7: {  	s30 =	sld [smem:$0x0];
	_ =	sdelay $0x2  }
0xb8: {  	s31 =	sshll.u32 s1, $0xD;
	s1 =	sshrl.u32 s1, $0x2  }
0xb9: {  	s3 =	sand.u32 $0x4000, s31;
	s1 =	sadd.s32 s1, s30  }
0xba: {  	s0 =	sor.u32 s3, s0;
	s1 =	sshll.u32 s1, $0x11  }
0xbb: {  	s0 =	sor.u32 s1, s0  }
0xbc: {  	s0 =	sadd.s32 $0x8F2B, s0  }
0xbd: {  	[sflag:s0] =	ssyncadd.remote.s32 $0x1  }
0xbe: {  	_ =	sfence.sel $0xFFFF  }
0xbf: {  	[dreg:$0x0] =	wrdreg $0xFFFFFFFF;
	(pc) =	sbr.abs _section_cstart, $3  }
0xc0: {  	[dreg:$0x1] =	wrdreg $0xFFFFFFFF  }
0xc1: {  	_ =	task.clear_ibuf [dreg:s7], $0x2FFFF;
	_ =	strace $0x9FFFFFFF  }
0xc2: {  	(tm) =	ssettm $0x7FFFFFFF  }
0xc3: {  	_ =	shalt  }
tec
execute0_lowered:
.L_overlay_start_1:
0x0: {  	(tag) =	ssettag $0x1  }
0x1: {  	s0 =	rddreg [dreg:$0x0]  }
0x2: {  	s1 =	rddreg [dreg:$0x1];
	s2 =	srdreg.scid  }
0x3: {  	s4 =	stileid.u32;
	s3 =	sand.u32 $0x1, s2;
	s2 =	simm.s32 $0x0  }
0x4: {  	s4 =	sshll.u32 s4, $0x7;
	s5 =	sshll.u32 s3, $0x6;
	[smem:$0x7FF] =	sst s2  }
0x5: {  	s14 =	sadd.s32 $0x400, s0;
	s4 =	sor.u32 s5, s4;
	_ =	strace $0x80000047  }
0x6: {  	[dreg:$0x3] =	wrdreg s14;
	s0 =	sadd.s32 s4, s0;
	s1 =	sadd.s32 s1, s4  }
0x7: {  	s15 =	sadd.s32 $0x1E8A00, s0;
	[dreg:$0x10] =	wrdreg s1  }
0x8: {  	s16 =	sadd.s32 $0x1E9200, s0;
	[dreg:$0x4] =	wrdreg s15  }
0x9: {  	s17 =	sadd.s32 $0x1E9A00, s0;
	[dreg:$0x5] =	wrdreg s16  }
0xa: {  	s18 =	sadd.s32 $0x1EA200, s0;
	[dreg:$0x6] =	wrdreg s17  }
0xb: {  	s19 =	sadd.s32 $0x1EAA00, s0;
	[dreg:$0x7] =	wrdreg s18  }
0xc: {  	s20 =	sadd.s32 $0x1EB200, s0;
	[dreg:$0x8] =	wrdreg s19  }
0xd: {  	s21 =	sadd.s32 $0x1EBA00, s0;
	[dreg:$0x9] =	wrdreg s20  }
0xe: {  	s22 =	sadd.s32 $0x1EC200, s0;
	[dreg:$0xa] =	wrdreg s21  }
0xf: {  	s6 =	sadd.s32 $0x1ECA00, s0;
	[dreg:$0xb] =	wrdreg s22  }
0x10: {  	s24 =	sadd.s32 $0x1ED200, s0;
	[dreg:$0xc] =	wrdreg s6  }
0x11: {  	v0 =	vimm.s32 $0xECA86420;
	s25 =	sadd.s32 $0x1EDA00, s0;
	[dreg:$0xd] =	wrdreg s24  }
0x12: {  	vm0 =	vcmask $0xB08;
	vm1 =	vcmask $0x1310;
	vm2 =	vcmask $0x1B18;
	s26 =	sadd.s32 $0x1EE200, s0;
	[dreg:$0xe] =	wrdreg s25  }
0x13: {  	vm3 =	vcmask $0x300;
	vm4 =	vcmask $0x2320;
	vm5 =	vcmask $0x2B28;
	s28 =	sadd.s32 $0x1EEA00, s0;
	[dreg:$0xf] =	wrdreg s26  }
0x14: {  	v1 =	vlaneseq.u32;
	vm6 =	vcmask $0x3330;
	vm7 =	vcmask $0x3B38;
	s3 =	ssub.s32 $0x2, s3;
	s29 =	sadd.s32 $0x1EF200, s0;
	[dreg:$0x11] =	wrdreg s28  }
0x15: {  	vm8 =	vmmov $0xff;
	vm9 =	vcmask $0x704;
	vm10 =	vcmask $0xF0C;
	s23 =	sshrl.u32 s3, $0x1;
	s30 =	sadd.s32 $0x1EFA00, s0;
	[dreg:$0x12] =	wrdreg s29  }
0x16: {  	vm11 =	vcmask $0x1714;
	vm12 =	vcmask $0x1F1C;
	v0 =	vunpack.c.l.s4.s8 v0;
	s3 =	ssub.s32 s3, s23;
	s0 =	sadd.s32 $0x1F0200, s0;
	[dreg:$0x13] =	wrdreg s30  }
0x17: {  	vm13 =	vcmask $0x2724;
	vm14 =	vcmask $0x2F2C;
	vm15 =	vcmask $0x3734;
	s31 =	smax.u32 s3, $0x1;
	[dreg:$0x14] =	wrdreg s0  }
0x18: {  	v2 =	vimm.s32 $0x0;
	v1 =	vmul.u32 $0x2, v1;
	v0 =	vunpack.c.0.s8.s32 v0;
	s1 =	simm.s32 $0x2;
	s3 =	simm.s32 $0x0;
	[dreg:$0x15] =	wrdreg s31  }
.LBB2_1:
0x19: {  	[dreg:$0x16] =	wrdreg s3  }
0x1a: {  	s0 =	rddreg [dreg:$0x10]  }
0x1b: {  	[tilespmem:s2], [sflag:$0x2] =	stream.linear.gather [hbm4b:s0+s2], $0x200, $0x38;
	[tilespmem:$0x4200] =	vst v63  }
0x1c: {  	_ =	swait.ge [sflag:s1], $0x200  }
0x1d: {  	s28 =	simm.s32 $0x200;
	[sflag:s1] =	ssyncset.done $0x0  }
0x1e: {  	s29 =	simm.s32 $0x0;
	s30 =	simm.s32 $0x0;
	[sflag:s1] =	ssyncadd.s32 $0xFFFFFE00  }
.LBB2_2:
0x1f: {  	v3 =	vld [tilespmem:s29+$0x0];
	_ =	sdelay $0x4  }
0x20: {  	(v2sf) =	vpush v3, $0xD;
	_ =	sdelay $0x1  }
0x21: {  	(v2sf) =	vpush v3, $0xC;
	_ =	sdelay $0x1  }
0x22: {  	(v2sf) =	vpush v3, $0xE;
	_ =	sdelay $0x1  }
0x23: {  	(v2sf) =	vpush v3, $0xF;
	_ =	sdelay $0x1  }
0x24: {  	(v2sf) =	vpush v3, $0x9;
	_ =	sdelay $0x1  }
0x25: {  	(v2sf) =	vpush v3, $0x8;
	_ =	sdelay $0x1  }
0x26: {  	(v2sf) =	vpush v3, $0xA;
	_ =	sdelay $0x1  }
0x27: {  	(v2sf) =	vpush v3, $0xB  }
0x28: {  	s0 =	spop (v2sf)  }
0x29: {  	(v2sf) =	vpush v3, $0x0;
	s1 =	smulhi.u32 $0x6D0B8037, s0;
	s0 =	sshra.s32 s0, $0x1F  }
0x2a: {  	s3 =	spop (v2sf);
	s0 =	smul.u32 $0x6D0B8037, s0  }
0x2b: {  	(v2sf) =	vpush v3, $0x1;
	s4 =	smulhi.u32 $0x6D0B8037, s3;
	s3 =	sshra.s32 s3, $0x1F  }
0x2c: {  	(v2sf) =	vpush v3, $0x2;
	s5 =	spop (v2sf);
	s3 =	smul.u32 $0x6D0B8037, s3  }
0x2d: {  	(v2sf) =	vpush v3, $0x3;
	s7 =	smulhi.u32 $0x6D0B8037, s5;
	s5 =	sshra.s32 s5, $0x1F  }
0x2e: {  	(v2sf) =	vpush v3, $0x4;
	s6 =	spop (v2sf);
	s5 =	smul.u32 $0x6D0B8037, s5  }
0x2f: {  	(v2sf) =	vpush v3, $0x5;
	s31 =	smulhi.u32 $0x6D0B8037, s6;
	s6 =	sshra.s32 s6, $0x1F  }
0x30: {  	(v2sf) =	vpush v3, $0x6;
	s8 =	spop (v2sf);
	s6 =	smul.u32 $0x6D0B8037, s6  }
0x31: {  	(v2sf) =	vpush v3, $0x7;
	s10 =	smulhi.u32 $0x6D0B8037, s8;
	s8 =	sshra.s32 s8, $0x1F  }
0x32: {  	s23 =	spop (v2sf);
	s13 =	smul.u32 $0x6D0B8037, s8  }
0x33: {  	s0 =	sadd.s32 s0, s1;
	s15 =	smulhi.u32 $0x6D0B8037, s23;
	s26 =	sshra.s32 s23, $0x1F  }
0x34: {  	s9 =	spop (v2sf);
	s23 =	sadd.s32 s3, s4;
	s17 =	smul.u32 $0x6D0B8037, s26  }
0x35: {  	s1 =	sadd.s32 s5, s7;
	s19 =	smulhi.u32 $0x6D0B8037, s9;
	s2 =	sshra.s32 s9, $0x1F  }
0x36: {  	s11 =	spop (v2sf);
	s24 =	sshrl.u32 s23, $0x1F;
	s20 =	smul.u32 $0x6D0B8037, s2  }
0x37: {  	s31 =	sadd.s32 s6, s31;
	s25 =	smulhi.u32 $0x6D0B8037, s11;
	s11 =	sshra.s32 s11, $0x1F  }
0x38: {  	s12 =	spop (v2sf);
	s6 =	sadd.s32 s13, s10;
	s11 =	smul.u32 $0x6D0B8037, s11  }
0x39: {  	s13 =	sshrl.u32 s31, $0x1F;
	s26 =	smulhi.u32 $0x6D0B8037, s12;
	s4 =	sshra.s32 s12, $0x1F  }
0x3a: {  	s14 =	spop (v2sf);
	s12 =	sshrl.u32 s0, $0x1F;
	s2 =	smul.u32 $0x6D0B8037, s4  }
0x3b: {  	s16 =	spop (v2sf);
	s5 =	smulhi.u32 $0x6D0B8037, s14;
	s7 =	sshra.s32 s14, $0x1F  }
0x3c: {  	s4 =	sadd.s32 s20, s19;
	s18 =	spop (v2sf);
	s22 =	smul.u32 $0x6D0B8037, s7  }
0x3d: {  	s10 =	smulhi.u32 $0x6D0B8037, s16;
	s16 =	sshra.s32 s16, $0x1F;
	s9 =	spop (v2sf)  }
0x3e: {  	s7 =	sadd.s32 s17, s15;
	s15 =	smul.u32 $0x6D0B8037, s16;
	s21 =	spop (v2sf)  }
0x3f: {  	s16 =	smulhi.u32 $0x6D0B8037, s18;
	s19 =	sshra.s32 s18, $0x1F;
	s8 =	spop (v2sf)  }
0x40: {  	s3 =	sadd.s32 s11, s25;
	s11 =	smul.u32 $0x6D0B8037, s19;
	s20 =	spop (v2sf)  }
0x41: {  	s0 =	sshra.s32 s0, $0xF;
	s18 =	smulhi.u32 $0x6D0B8037, s20;
	s17 =	sshra.s32 s20, $0x1F  }
0x42: {  	s14 =	sshrl.u32 s1, $0x1F;
	s2 =	sadd.s32 s2, s26;
	s25 =	smul.u32 $0x6D0B8037, s17  }
0x43: {  	s19 =	sshrl.u32 s6, $0x1F;
	s26 =	smulhi.u32 $0x6D0B8037, s9;
	s9 =	sshra.s32 s9, $0x1F  }
0x44: {  	v5 =	vmov s24;
	s9 =	smul.u32 $0x6D0B8037, s9;
	s20 =	sadd.s32 s22, s5;
	s5 =	sadd.s32 s25, s18  }
0x45: {  	v5 =	vsel vm0, s12, v5;
	s10 =	sadd.s32 s15, s10;
	s15 =	sshrl.u32 s3, $0x1F;
	s22 =	sshra.s32 s5, $0x1F  }
0x46: {  	v5 =	vsel vm1, s14, v5;
	s9 =	sadd.s32 s9, s26;
	s26 =	sshrl.u32 s2, $0x1F;
	s25 =	sshra.s32 s2, $0xF;
	v4 =	vmov s22  }
0x47: {  	v5 =	vsel vm2, s13, v5;
	s13 =	smulhi.u32 $0x6D0B8037, s8;
	s8 =	sshra.s32 s8, $0x1F;
	s2 =	sshra.s32 s2, $0x1F;
	v4 =	vsel vm3, s25, v4  }
0x48: {  	s11 =	sadd.s32 s11, s16;
	v6 =	vmov s26;
	s8 =	smul.u32 $0x6D0B8037, s8;
	s24 =	sshra.s32 s20, $0xF;
	v4 =	vsel vm9, s2, v4  }
0x49: {  	v49 =	vsub.s32 $0x0, v3;
	v6 =	vnsel vm3, $0x0, v6;
	s17 =	sshrl.u32 s7, $0x1F;
	s16 =	sshrl.u32 s20, $0x1F;
	s20 =	sshra.s32 s20, $0x1F;
	v4 =	vsel vm0, s24, v4  }
0x4a: {  	s7 =	sshra.s32 s7, $0xF;
	v6 =	vsel vm0, s16, v6;
	v7 =	vmov s17;
	s17 =	sshra.s32 s23, $0xF;
	v4 =	vsel vm10, s20, v4;
	s20 =	sshra.s32 s10, $0xF  }
0x4b: {  	v8 =	vmov s7;
	s18 =	sshrl.u32 s4, $0x1F;
	v7 =	vsel vm0, s19, v7;
	s25 =	sshrl.u32 s10, $0x1F;
	s10 =	sshra.s32 s10, $0x1F;
	v4 =	vsel vm1, s20, v4  }
0x4c: {  	v7 =	vsel vm1, s18, v7;
	s22 =	smulhi.u32 $0x6D0B8037, s21;
	s21 =	sshra.s32 s21, $0x1F;
	v6 =	vsel vm1, s25, v6;
	s25 =	sshra.s32 s11, $0xF;
	v4 =	vsel vm11, s10, v4  }
0x4d: {  	s6 =	sshra.s32 s6, $0xF;
	s14 =	sshra.s32 s11, $0x1F;
	v48 =	vmov s17;
	v7 =	vsel vm2, s15, v7;
	s26 =	smul.u32 $0x6D0B8037, s21;
	v4 =	vsel vm2, s25, v4  }
0x4e: {  	s16 =	sshra.s32 s9, $0xF;
	s19 =	sshra.s32 s1, $0xF;
	s21 =	sshrl.u32 s11, $0x1F;
	v5 =	vcombine.low v7, v5;
	v7 =	vsel vm0, s0, v48;
	v4 =	vsel vm12, s14, v4  }
0x4f: {  	v8 =	vsel vm0, s6, v8;
	v7 =	vsel vm1, s19, v7;
	s22 =	sadd.s32 s26, s22;
	s24 =	sshrl.u32 s9, $0x1F;
	s9 =	sshra.s32 s9, $0x1F;
	v4 =	vsel vm4, s16, v4  }
0x50: {  	s8 =	sadd.s32 s8, s13;
	v6 =	vsel vm2, s21, v6;
	s21 =	sshra.s32 s31, $0xF;
	v5 =	vperm.xlane v5, v0;
	s18 =	sshra.s32 s22, $0xF;
	v4 =	vsel vm13, s9, v4  }
0x51: {  	v6 =	vsel vm4, s24, v6;
	s26 =	sshrl.u32 s22, $0x1F;
	s2 =	sshra.s32 s22, $0x1F;
	v7 =	vsel vm2, s21, v7;
	s20 =	sshra.s32 s4, $0xF;
	v4 =	vsel vm5, s18, v4  }
0x52: {  	s23 =	sshra.s32 s8, $0xF;
	s15 =	sshrl.u32 s8, $0x1F;
	s22 =	sshra.s32 s3, $0xF;
	v6 =	vsel vm5, s26, v6;
	v8 =	vsel vm1, s20, v8;
	v4 =	vsel vm14, s2, v4  }
0x53: {  	s24 =	sshrl.u32 s5, $0x1F;
	v6 =	vsel vm6, s15, v6;
	v8 =	vsel vm2, s22, v8;
	s25 =	sshra.s32 s8, $0x1F;
	v4 =	vsel vm6, s23, v4  }
0x54: {  	s26 =	sshra.s32 s5, $0xF;
	v6 =	vsel vm7, s24, v6;
	v7 =	vcombine.low v8, v7;
	v4 =	vsel vm15, s25, v4  }
0x55: {  	vm2 =	vmmov vm1;
	v6 =	vperm.xlane v6, v1;
	v4 =	vsel vm7, s26, v4  }
0x56: {  	vm1 =	vmmov vm0;
	v7 =	vperm.xlane v7, v0;
	v4 =	vperm.xlane v4, v1  }
0x57: {  	vm0 =	vmmov vm8;
	v5 =	vsel vm8, v6, v5;
	vm15 =	vmmov vm13  }
0x58: {  	vm13 =	vmmov vm11;
	vm11 =	vmmov vm9;
	v4 =	vsel vm8, v4, v7  }
0x59: {  	vm9 =	vlt.s32 v3, $0x1;
	vm8 =	vmmov vm7;
	v4 =	vadd.s32 v5, v4  }
0x5a: {  	vm7 =	vmmov vm6;
	vm6 =	vmmov vm5;
	v5 =	vmul.u32 $0xFFFED380, v4  }
0x5b: {  	vm5 =	vmmov vm4;
	vm4 =	vmmov vm3;
	vm3 =	vmmov vm14  }
0x5c: {  	vm14 =	vmmov vm12;
	vm12 =	vmmov vm10;
	vm10 =	vne.s32 v5, v49  }
0x5d: {  	vm9 =	vmand vm9, vm10  }
0x5e: {  	v50 =	vsel vm9, $0xFFFFFFFF, v2  }
0x5f: {  	v4 =	vadd.s32 v50, v4  }
0x60: {  	v4 =	vmul.u32 $0x119B80, v4;
	_ =	sdelay $0x1  }
0x61: {  	v3 =	vadd.s32 v3, v4  }
0x62: {  	s31 =	sand.u32 $0x1F0, s30;
	[tilespmem:s28+$0x0] =	vst v3;
	v4 =	vadd.s32 $0x12C80, v3  }
0x63: {  	v51 =	vadd.s32 $0x25900, v3;
	[tilespmem:s31+$0x400] =	vst v4  }
0x64: {  	v52 =	vadd.s32 $0x38580, v3;
	[tilespmem:s31+$0x600] =	vst v51  }
0x65: {  	v53 =	vadd.s32 $0x4B200, v3;
	[tilespmem:s31+$0x800] =	vst v52  }
0x66: {  	v54 =	vadd.s32 $0x5DE80, v3;
	[tilespmem:s31+$0xA00] =	vst v53  }
0x67: {  	v55 =	vadd.s32 $0x70B00, v3;
	[tilespmem:s31+$0xC00] =	vst v54  }
0x68: {  	v56 =	vadd.s32 $0x83780, v3;
	[tilespmem:s31+$0xE00] =	vst v55  }
0x69: {  	v57 =	vadd.s32 $0x96400, v3;
	[tilespmem:s31+$0x1000] =	vst v56  }
0x6a: {  	vm10 =	vmmov vm12;
	v58 =	vadd.s32 $0xA9080, v3;
	[tilespmem:s31+$0x1200] =	vst v57  }
0x6b: {  	vm12 =	vmmov vm14;
	vm14 =	vmmov vm3;
	v59 =	vadd.s32 $0xBBD00, v3;
	[tilespmem:s31+$0x1400] =	vst v58  }
0x6c: {  	p0 =	sne.s32 s30, $0x1F0;
	vm3 =	vmmov vm4;
	vm4 =	vmmov vm5;
	v60 =	vadd.s32 $0xCE980, v3;
	[tilespmem:s31+$0x1600] =	vst v59  }
.Ltmp0:
0x6d: {  	vm5 =	vmmov vm6;
	vm6 =	vmmov vm7;
	v61 =	vadd.s32 $0xE1600, v3;
	[tilespmem:s31+$0x1800] =	vst v60;
	(pc) =	sbr.rel @p0 .LBB2_2-.Ltmp0, $4  }
0x6e: {  	vm7 =	vmmov vm8;
	vm8 =	vmmov vm0;
	v62 =	vadd.s32 $0xF4280, v3;
	[tilespmem:s31+$0x1A00] =	vst v61  }
0x6f: {  	vm0 =	vmmov vm1;
	vm1 =	vmmov vm2;
	v63 =	vadd.s32 $0x106F00, v3;
	[tilespmem:s31+$0x1C00] =	vst v62  }
0x70: {  	vm2 =	vcmask $0x1B18;
	vm9 =	vmmov vm11;
	v3 =	vadd.s32 $0x119B80, v3;
	[tilespmem:s31+$0x1E00] =	vst v63  }
0x71: {  	s29 =	sadd.s32 $0x10, s29;
	s30 =	sadd.s32 $0x10, s30;
	vm11 =	vmmov vm13;
	vm13 =	vmmov vm15;
	vm15 =	vcmask $0x3734;
	s28 =	sadd.s32 $0x10, s28;
	[tilespmem:s31+$0x2000] =	vst v3  }
0x72: {  	s0 =	rddreg [dreg:$0x3];
	s1 =	simm.s32 $0x2000  }
0x73: {  	s2 =	simm.s32 $0x200;
	s3 =	simm.s32 $0x2200;
	s25 =	simm.s32 $0x1  }
0x74: {  	[tilespmem:s3], [sflag:$0x1] =	stream.indirect.gather [hbm4b:s0+s1], $0x1, s2, s1, $0xb8;
	[tilespmem:$0x4200] =	vst v63  }
0x75: {  	_ =	swait.ge [sflag:s25], $0x2000  }
0x76: {  	s2 =	simm.s32 $0x0;
	[sflag:s25] =	ssyncset.done $0x0  }
0x77: {  	s1 =	simm.s32 $0x2;
	s26 =	rddreg [dreg:$0x4];
	[sflag:s25] =	ssyncadd.s32 $0xFFFFE000  }
0x78: {  	[hbm4b:s26+s2] =	stream.linear.scatter [tilespmem:s3], [sflag:$0x2], $0x200, $0x38;
	[tilespmem:$0x4200] =	vst v63  }
0x79: {  	_ =	swait.ge [sflag:s1], $0x200  }
0x7a: {  	[sflag:s1] =	ssyncset.done $0x0  }
0x7b: {  	s29 =	simm.s32 $0x2400;
	s28 =	rddreg [dreg:$0x5];
	[sflag:s1] =	ssyncadd.s32 $0xFFFFFE00  }
0x7c: {  	[hbm4b:s28+s2] =	stream.linear.scatter [tilespmem:s29], [sflag:$0x2], $0x200, $0x38;
	[tilespmem:$0x4200] =	vst v63  }
0x7d: {  	_ =	swait.ge [sflag:s1], $0x200  }
0x7e: {  	[sflag:s1] =	ssyncset.done $0x0  }
0x7f: {  	s31 =	simm.s32 $0x2600;
	s30 =	rddreg [dreg:$0x6];
	[sflag:s1] =	ssyncadd.s32 $0xFFFFFE00  }
0x80: {  	[hbm4b:s30+s2] =	stream.linear.scatter [tilespmem:s31], [sflag:$0x2], $0x200, $0x38;
	[tilespmem:$0x4200] =	vst v63  }
0x81: {  	_ =	swait.ge [sflag:s1], $0x200  }
0x82: {  	[sflag:s1] =	ssyncset.done $0x0  }
0x83: {  	s4 =	simm.s32 $0x2800;
	s3 =	rddreg [dreg:$0x7];
	[sflag:s1] =	ssyncadd.s32 $0xFFFFFE00  }
0x84: {  	[hbm4b:s3+s2] =	stream.linear.scatter [tilespmem:s4], [sflag:$0x2], $0x200, $0x38;
	[tilespmem:$0x4200] =	vst v63  }
0x85: {  	_ =	swait.ge [sflag:s1], $0x200  }
0x86: {  	[sflag:s1] =	ssyncset.done $0x0  }
0x87: {  	s6 =	simm.s32 $0x2A00;
	s5 =	rddreg [dreg:$0x8];
	[sflag:s1] =	ssyncadd.s32 $0xFFFFFE00  }
0x88: {  	[hbm4b:s5+s2] =	stream.linear.scatter [tilespmem:s6], [sflag:$0x2], $0x200, $0x38;
	[tilespmem:$0x4200] =	vst v63  }
0x89: {  	_ =	swait.ge [sflag:s1], $0x200  }
0x8a: {  	[sflag:s1] =	ssyncset.done $0x0  }
0x8b: {  	s8 =	simm.s32 $0x2C00;
	s7 =	rddreg [dreg:$0x9];
	[sflag:s1] =	ssyncadd.s32 $0xFFFFFE00  }
0x8c: {  	[hbm4b:s7+s2] =	stream.linear.scatter [tilespmem:s8], [sflag:$0x2], $0x200, $0x38;
	[tilespmem:$0x4200] =	vst v63  }
0x8d: {  	_ =	swait.ge [sflag:s1], $0x200  }
0x8e: {  	[sflag:s1] =	ssyncset.done $0x0  }
0x8f: {  	s10 =	simm.s32 $0x2E00;
	s9 =	rddreg [dreg:$0xa];
	[sflag:s1] =	ssyncadd.s32 $0xFFFFFE00  }
0x90: {  	[hbm4b:s9+s2] =	stream.linear.scatter [tilespmem:s10], [sflag:$0x2], $0x200, $0x38;
	[tilespmem:$0x4200] =	vst v63  }
0x91: {  	_ =	swait.ge [sflag:s1], $0x200  }
0x92: {  	[sflag:s1] =	ssyncset.done $0x0  }
0x93: {  	s12 =	simm.s32 $0x3000;
	s11 =	rddreg [dreg:$0xb];
	[sflag:s1] =	ssyncadd.s32 $0xFFFFFE00  }
0x94: {  	[hbm4b:s11+s2] =	stream.linear.scatter [tilespmem:s12], [sflag:$0x2], $0x200, $0x38;
	[tilespmem:$0x4200] =	vst v63  }
0x95: {  	_ =	swait.ge [sflag:s1], $0x200  }
0x96: {  	[sflag:s1] =	ssyncset.done $0x0  }
0x97: {  	s14 =	simm.s32 $0x3200;
	s13 =	rddreg [dreg:$0xc];
	[sflag:s1] =	ssyncadd.s32 $0xFFFFFE00  }
0x98: {  	[hbm4b:s13+s2] =	stream.linear.scatter [tilespmem:s14], [sflag:$0x2], $0x200, $0x38;
	[tilespmem:$0x4200] =	vst v63  }
0x99: {  	_ =	swait.ge [sflag:s1], $0x200  }
0x9a: {  	[sflag:s1] =	ssyncset.done $0x0  }
0x9b: {  	s16 =	simm.s32 $0x3400;
	s15 =	rddreg [dreg:$0xd];
	[sflag:s1] =	ssyncadd.s32 $0xFFFFFE00  }
0x9c: {  	[hbm4b:s15+s2] =	stream.linear.scatter [tilespmem:s16], [sflag:$0x2], $0x200, $0x38;
	[tilespmem:$0x4200] =	vst v63  }
0x9d: {  	_ =	swait.ge [sflag:s1], $0x200  }
0x9e: {  	[sflag:s1] =	ssyncset.done $0x0  }
0x9f: {  	s18 =	simm.s32 $0x3600;
	s17 =	rddreg [dreg:$0xe];
	[sflag:s1] =	ssyncadd.s32 $0xFFFFFE00  }
0xa0: {  	[hbm4b:s17+s2] =	stream.linear.scatter [tilespmem:s18], [sflag:$0x2], $0x200, $0x38;
	[tilespmem:$0x4200] =	vst v63  }
0xa1: {  	_ =	swait.ge [sflag:s1], $0x200  }
0xa2: {  	[sflag:s1] =	ssyncset.done $0x0  }
0xa3: {  	s20 =	simm.s32 $0x3800;
	s19 =	rddreg [dreg:$0xf];
	[sflag:s1] =	ssyncadd.s32 $0xFFFFFE00  }
0xa4: {  	[hbm4b:s19+s2] =	stream.linear.scatter [tilespmem:s20], [sflag:$0x2], $0x200, $0x38;
	[tilespmem:$0x4200] =	vst v63  }
0xa5: {  	_ =	swait.ge [sflag:s1], $0x200  }
0xa6: {  	[sflag:s1] =	ssyncset.done $0x0  }
0xa7: {  	s22 =	simm.s32 $0x3A00;
	s21 =	rddreg [dreg:$0x11];
	[sflag:s1] =	ssyncadd.s32 $0xFFFFFE00  }
0xa8: {  	[hbm4b:s21+s2] =	stream.linear.scatter [tilespmem:s22], [sflag:$0x2], $0x200, $0x38;
	[tilespmem:$0x4200] =	vst v63  }
0xa9: {  	_ =	swait.ge [sflag:s1], $0x200  }
0xaa: {  	[sflag:s1] =	ssyncset.done $0x0  }
0xab: {  	s24 =	simm.s32 $0x3C00;
	s23 =	rddreg [dreg:$0x12];
	[sflag:s1] =	ssyncadd.s32 $0xFFFFFE00  }
0xac: {  	[hbm4b:s23+s2] =	stream.linear.scatter [tilespmem:s24], [sflag:$0x2], $0x200, $0x38;
	[tilespmem:$0x4200] =	vst v63  }
0xad: {  	_ =	swait.ge [sflag:s1], $0x200  }
0xae: {  	[sflag:s1] =	ssyncset.done $0x0  }
0xaf: {  	s26 =	simm.s32 $0x3E00;
	s25 =	rddreg [dreg:$0x13];
	[sflag:s1] =	ssyncadd.s32 $0xFFFFFE00  }
0xb0: {  	[hbm4b:s25+s2] =	stream.linear.scatter [tilespmem:s26], [sflag:$0x2], $0x200, $0x38;
	[tilespmem:$0x4200] =	vst v63  }
0xb1: {  	_ =	swait.ge [sflag:s1], $0x200  }
0xb2: {  	[sflag:s1] =	ssyncset.done $0x0  }
0xb3: {  	s29 =	simm.s32 $0x4000;
	s28 =	rddreg [dreg:$0x14];
	[sflag:s1] =	ssyncadd.s32 $0xFFFFFE00  }
0xb4: {  	[hbm4b:s28+s2] =	stream.linear.scatter [tilespmem:s29], [sflag:$0x2], $0x200, $0x38;
	[tilespmem:$0x4200] =	vst v63  }
0xb5: {  	_ =	swait.ge [sflag:s1], $0x200  }
0xb6: {  	s30 =	rddreg [dreg:$0x16]  }
0xb7: {  	s31 =	rddreg [dreg:$0x15];
	s3 =	sadd.s32 $0x1, s30  }
0xb8: {  	p0 =	sne.s32 s3, s31  }
.Ltmp1:
0xb9: {  	_ = 	snop;
	(pc) =	sbr.rel @p0 .LBB2_1-.Ltmp1, $3  }
0xba: {  	_ =	sdelay $0x1  }
0xbb: {  	[sflag:s1] =	ssyncset.done $0x0  }
0xbc: {  	[sflag:s1] =	ssyncadd.s32 $0xFFFFFE00  }
0xbd: {  	_ =	sfence.sel $0x180000  }
0xbe: {  	[bflag:$0x0] =	sbarrier.arrive $0xFFFF  }
0xbf: {  	_ =	strace $0x90000047  }
0xc0: {  	s0 =	stileid.u32;
	[bflag:$0x2] =	sbarrier.arrive $0xFFFF  }
0xc1: {  	p0 =	sne.s32 s0, $0x0;
	s0 =	rddreg [dreg:$0x2]  }
0xc2: {  	s0 =	sadd.s32 @!p0 $0x100000, s0  }
0xc3: {  	[sflag:s0] =	ssyncadd.tile.s32 @!p0 $0x1;
	_ =	shalt  }
.Lfunc_end2:
_tile_overlayer_lowered:
.L_overlay_start_2:
0xc4: {  	(tag) =	ssettag $0x2  }
0xc5: {  	s0 =	rddreg [dreg:$0x0];
	s2 =	stileid.u32  }
0xc6: {  	s1 =	rddreg [dreg:$0x1];
	p0 =	sne.s32 s2, $0x0  }
0xc7: {  	s3 =	rddreg [dreg:$0x2];
	[bflag:$0x3] =	sbarrier.arrive $0xFFFF;
	s2 =	simm.s32 @!p0 $0x1C02  }
0xc8: {  	[timem:s3], [sflag:s2] =	dma.local @!p0 [hbm:s0], s1  }
0xc9: {  	s0 =	simm.s32 @!p0 $0x2  }
0xca: {  	_ =	swait.ge @!p0 [sflag:s0], s1  }
0xcb: {  	s1 =	ssub.s32 @!p0 $0x0, s1;
	[sflag:s0] =	ssyncset.done @!p0 $0x0  }
0xcc: {  	[sflag:s0] =	ssyncadd.s32 @!p0 s1  }
0xcd: {  	[bflag:$0x3] =	sbarrier.arrive $0xFFFF  }
0xce: {  	_ =	shalt  }

</sc_bundles>
